<compile_context>
chip_gen: v7x
topology: tpu7x:2x2x1
jax: 0.10.2.dev20260603
libtpu: 0.0.44.dev20260713+nightly
codegen_flags: <defaults>
</compile_context>

<pallas_src>
import jax
import jax.numpy as jnp
from jax import lax
from jax.experimental import pallas as pl
from jax.experimental.pallas import tpu as pltpu
from jax.experimental.pallas import tpu_sc as plsc

B = 16384
S = 12
N_ELEMENTS = 118
COMP_SIM_WEIGHT = 2.0

NC = 2
NS = 16
NW = NC * NS
ROWS_PER_W = B // NW
GROUPS = ROWS_PER_W // 16
ACC_WORDS = N_ELEMENTS * 16
ACC_PAD = 1920


def _rsqrt_nr(x):
    i = lax.bitcast_convert_type(x, jnp.int32)
    i = jnp.int32(0x5F3759DF) - lax.shift_right_logical(i, 1)
    y = lax.bitcast_convert_type(i, jnp.float32)
    for _ in range(3):
        y = y * (1.5 - 0.5 * x * y * y)
    return y


def _worker_body(pidx, pfrac, tidx, tfrac, out_hbm,
                 pidx_v, pfrac_v, tidx_v, tfrac_v,
                 accp, acct, out_v, sem):
    cid = lax.axis_index("c")
    sid = lax.axis_index("s")
    wid = sid * NC + cid
    base = wid * ROWS_PER_W

    copies = [
        pltpu.make_async_copy(hbm.at[:, pl.ds(base, ROWS_PER_W)], v, sem)
        for hbm, v in ((pidx, pidx_v), (pfrac, pfrac_v),
                       (tidx, tidx_v), (tfrac, tfrac_v))
    ]
    for c in copies:
        c.start()

    zero = jnp.zeros((16,), jnp.float32)

    def clear(i, carry):
        accp[pl.ds(i * 16, 16)] = zero
        acct[pl.ds(i * 16, 16)] = zero
        return carry

    lax.fori_loop(0, ACC_PAD // 16, clear, 0)

    for c in copies:
        c.wait()

    lane_m16 = lax.iota(jnp.int32, 16) - 16

    def one_group(col, cp, ct):
        at, tf = [], []
        for s in range(S):
            at.append(jnp.maximum(tidx_v[s, pl.ds(col, 16)], 1) * 16 + lane_m16)
            tf.append(jnp.maximum(tfrac_v[s, pl.ds(col, 16)], 0.0))
        for s in range(S):
            plsc.addupdate_scatter(ct, [at[s]], tf[s])
        tn0 = zero
        tn1 = zero
        tn2_ = zero
        for s in range(0, S, 3):
            tn0 += tf[s] * plsc.load_gather(ct, [at[s]])
            tn1 += tf[s + 1] * plsc.load_gather(ct, [at[s + 1]])
            tn2_ += tf[s + 2] * plsc.load_gather(ct, [at[s + 2]])

        ap, pf = [], []
        for s in range(S):
            ap.append(jnp.maximum(pidx_v[s, pl.ds(col, 16)], 1) * 16 + lane_m16)
            pf.append(jnp.maximum(pfrac_v[s, pl.ds(col, 16)], 0.0))
        for s in range(S):
            plsc.addupdate_scatter(cp, [ap[s]], pf[s])
        num0 = zero
        num1 = zero
        pn0 = zero
        pn1 = zero
        for s in range(0, S, 2):
            num0 += pf[s] * plsc.load_gather(ct, [ap[s]])
            num1 += pf[s + 1] * plsc.load_gather(ct, [ap[s + 1]])
            pn0 += pf[s] * plsc.load_gather(cp, [ap[s]])
            pn1 += pf[s + 1] * plsc.load_gather(cp, [ap[s + 1]])

        for s in range(S):
            plsc.store_scatter(cp, [ap[s]], zero)
            plsc.store_scatter(ct, [at[s]], zero)

        num = num0 + num1
        pn2 = pn0 + pn1
        tn2 = (tn0 + tn1) + tn2_
        rp = _rsqrt_nr(jnp.maximum(pn2, 1e-16))
        rt = _rsqrt_nr(jnp.maximum(tn2, 1e-16))
        cos = num * rp * rt
        return cos, pn2 + tn2 - 2.0 * num

    def group(g, carry):
        cos_acc, sse_acc = carry
        cos0, sse0 = one_group(g * 16, accp, acct)
        return cos_acc + cos0, sse_acc + sse0

    cos_acc, sse_acc = lax.fori_loop(0, GROUPS, group, (zero, zero))
    out_v[0] = cos_acc
    out_v[1] = sse_acc
    pltpu.sync_copy(out_v, out_hbm.at[wid])


def _build(interpret=False):
    mesh = plsc.VectorSubcoreMesh(core_axis_name="c", subcore_axis_name="s",
                                  num_cores=NC, num_subcores=NS)
    return pl.kernel(
        _worker_body,
        out_type=jax.ShapeDtypeStruct((NW, 2, 16), jnp.float32),
        mesh=mesh,
        scratch_types=[
            pltpu.VMEM((S, ROWS_PER_W), jnp.int32),
            pltpu.VMEM((S, ROWS_PER_W), jnp.float32),
            pltpu.VMEM((S, ROWS_PER_W), jnp.int32),
            pltpu.VMEM((S, ROWS_PER_W), jnp.float32),
            pltpu.VMEM((ACC_PAD,), jnp.float32),
            pltpu.VMEM((ACC_PAD,), jnp.float32),
            pltpu.VMEM((2, 16), jnp.float32),
            pltpu.SemaphoreType.DMA,
        ],
        compiler_params=pltpu.CompilerParams(needs_layout_passes=False),
        interpret=interpret,
        name="composition_vector_loss_sc",
    )


_sc_loss = _build()


@jax.jit
def kernel(pred_element_indices, pred_element_fractions, pred_element_mask,
           target_element_indices, target_element_fractions, target_element_mask):
    pmf = jnp.where(pred_element_mask, pred_element_fractions,
                    -pred_element_fractions)
    tmf = jnp.where(target_element_mask, target_element_fractions,
                    -target_element_fractions)
    partials = _sc_loss(
        pred_element_indices.T,
        pmf.T,
        target_element_indices.T,
        tmf.T,
    )
    cos_total = jnp.sum(partials[:, 0, :])
    sse_total = jnp.sum(partials[:, 1, :])
    cosine_mean = cos_total / B
    composition_mse = sse_total / (B * N_ELEMENTS)
    composition_loss = (1.0 - cosine_mean) * COMP_SIM_WEIGHT
    return (cosine_mean, composition_mse, composition_loss)

# --- scband reference (transcript-rebuilt; emitter-appended) ---
"""Pipeline reference for scband-composition-vector-loss-73306501808198 (READ-ONLY COPY).

The authoritative reference and input builder live on the scoring server;
editing this copy changes nothing except your own understanding.
"""

import jax, jax.numpy as jnp
import numpy as np

B = 16384
S = 12
N_ELEMENTS = 118
COMP_SIM_WEIGHT = 2.0


def setup_inputs(seed: int = 0) -> dict:
    key = jax.random.key(seed)
    k1, k2, k3, k4, k5, k6 = jax.random.split(key, 6)
    pred_element_indices = jax.random.randint(k1, (B, S), 0, 118, dtype=jnp.int32)
    pred_element_fractions = jax.random.uniform(k2, (B, S), dtype=jnp.float32)
    pred_element_mask = jax.random.randint(k3, (B, S), 0, 2, dtype=jnp.int32).astype(jnp.bool_)
    target_element_indices = jax.random.randint(k4, (B, S), 0, 118, dtype=jnp.int32)
    target_element_fractions = jax.random.uniform(k5, (B, S), dtype=jnp.float32)
    target_element_mask = jax.random.randint(k6, (B, S), 0, 2, dtype=jnp.int32).astype(jnp.bool_)
    return {
        "pred_element_indices": pred_element_indices,
        "pred_element_fractions": pred_element_fractions,
        "pred_element_mask": pred_element_mask,
        "target_element_indices": target_element_indices,
        "target_element_fractions": target_element_fractions,
        "target_element_mask": target_element_mask,
    }


def _elements_to_composition_vector(element_indices, element_fractions, element_mask):
    batch_size = element_indices.shape[0]
    valid_indices = jnp.clip(element_indices, 1, None) - 1
    masked_fractions = element_fractions * element_mask.astype(jnp.float32)
    rows = jnp.arange(batch_size)[:, None]
    composition = jnp.zeros((batch_size, N_ELEMENTS), dtype=jnp.float32)
    composition = composition.at[rows, valid_indices].add(masked_fractions)
    return composition


def reference(pred_element_indices, pred_element_fractions, pred_element_mask,
              target_element_indices, target_element_fractions, target_element_mask):
    pred_comp = _elements_to_composition_vector(pred_element_indices, pred_element_fractions, pred_element_mask)
    target_comp = _elements_to_composition_vector(target_element_indices, target_element_fractions, target_element_mask)
    eps = 1e-8
    num = jnp.sum(pred_comp * target_comp, axis=1)
    pred_norm = jnp.maximum(jnp.linalg.norm(pred_comp, axis=1), eps)
    target_norm = jnp.maximum(jnp.linalg.norm(target_comp, axis=1), eps)
    cosine_sim = num / (pred_norm * target_norm)
    composition_mse = jnp.mean((pred_comp - target_comp) ** 2)
    cosine_mean = jnp.mean(cosine_sim)
    composition_loss = (1.0 - cosine_mean) * COMP_SIM_WEIGHT
    return (cosine_mean, composition_mse, composition_loss)

if __name__ == "__main__":
    import jax
    _d = setup_inputs()
    print(jax.jit(kernel)(*tuple(_d.values())))

</pallas_src>

<mosaic_0001>
#map = affine_map<(d0, d1) -> (0, 0)>
#map1 = affine_map<(d0, d1) -> (0, 0, 0)>
module attributes {stable_mosaic.version = 14 : i64} {
  func.func @composition_vector_loss_sc(%arg0: i32, %arg1: i32, %arg2: memref<12x16384xi32, #tpu.memory_space<hbm>>, %arg3: memref<12x16384xf32, #tpu.memory_space<hbm>>, %arg4: memref<12x16384xi32, #tpu.memory_space<hbm>>, %arg5: memref<12x16384xf32, #tpu.memory_space<hbm>>, %arg6: memref<32x2x16xf32, #tpu.memory_space<hbm>>, %arg7: memref<12x512xi32, #tpu.memory_space<vmem>>, %arg8: memref<12x512xf32, #tpu.memory_space<vmem>>, %arg9: memref<12x512xi32, #tpu.memory_space<vmem>>, %arg10: memref<12x512xf32, #tpu.memory_space<vmem>>, %arg11: memref<1920xf32, #tpu.memory_space<vmem>>, %arg12: memref<1920xf32, #tpu.memory_space<vmem>>, %arg13: memref<2x16xf32, #tpu.memory_space<vmem>>, %arg14: memref<!tpu.dma_semaphore, #tpu.memory_space<semaphore_mem>>) attributes {dimension_semantics = [#tpu.dimension_semantics<core_parallel>, #tpu.dimension_semantics<subcore_parallel>], iteration_bounds = array<i64: 2, 16>, scalar_prefetch = 0 : i64, scratch_operands = 8 : i64, tpu.core_type = #tpu.core_type<sc_vector_subcore>, window_params = [{transform_indices = #map}, {transform_indices = #map}, {transform_indices = #map}, {transform_indices = #map}, {transform_indices = #map1}]} {
    %mul3A = arith.constant 2 : i32
    %mul3A_0 = arith.muli %arg1, %mul3A : i32
    %add3A = arith.addi %mul3A_0, %arg0 : i32
    %mul3A_1 = arith.constant 512 : i32
    %mul3A_2 = arith.muli %add3A, %mul3A_1 : i32
    %dma_start3A = arith.constant 0 : i32
    %dma_start3A_3 = tpu.memref_slice %arg2[%dma_start3A, %mul3A_2] : memref<12x16384xi32, #tpu.memory_space<hbm>> -> memref<12x512xi32, #tpu.memory_space<hbm>>
    %dma_start3A_4 = arith.constant 0 : i32
    %dma_start3A_5 = tpu.memref_slice %arg2[%dma_start3A_4, %mul3A_2] : memref<12x16384xi32, #tpu.memory_space<hbm>> -> memref<12x512xi32, #tpu.memory_space<hbm>>
    tpu.enqueue_dma source(%dma_start3A_5 : memref<12x512xi32, #tpu.memory_space<hbm>>) target(%arg7 : memref<12x512xi32, #tpu.memory_space<vmem>>) target_semaphore(%arg14 : memref<!tpu.dma_semaphore, #tpu.memory_space<semaphore_mem>>)
    %dma_start3A_6 = arith.constant 0 : i32
    %dma_start3A_7 = tpu.memref_slice %arg3[%dma_start3A_6, %mul3A_2] : memref<12x16384xf32, #tpu.memory_space<hbm>> -> memref<12x512xf32, #tpu.memory_space<hbm>>
    %dma_start3A_8 = arith.constant 0 : i32
    %dma_start3A_9 = tpu.memref_slice %arg3[%dma_start3A_8, %mul3A_2] : memref<12x16384xf32, #tpu.memory_space<hbm>> -> memref<12x512xf32, #tpu.memory_space<hbm>>
    tpu.enqueue_dma source(%dma_start3A_9 : memref<12x512xf32, #tpu.memory_space<hbm>>) target(%arg8 : memref<12x512xf32, #tpu.memory_space<vmem>>) target_semaphore(%arg14 : memref<!tpu.dma_semaphore, #tpu.memory_space<semaphore_mem>>)
    %dma_start3A_10 = arith.constant 0 : i32
    %dma_start3A_11 = tpu.memref_slice %arg4[%dma_start3A_10, %mul3A_2] : memref<12x16384xi32, #tpu.memory_space<hbm>> -> memref<12x512xi32, #tpu.memory_space<hbm>>
    %dma_start3A_12 = arith.constant 0 : i32
    %dma_start3A_13 = tpu.memref_slice %arg4[%dma_start3A_12, %mul3A_2] : memref<12x16384xi32, #tpu.memory_space<hbm>> -> memref<12x512xi32, #tpu.memory_space<hbm>>
    tpu.enqueue_dma source(%dma_start3A_13 : memref<12x512xi32, #tpu.memory_space<hbm>>) target(%arg9 : memref<12x512xi32, #tpu.memory_space<vmem>>) target_semaphore(%arg14 : memref<!tpu.dma_semaphore, #tpu.memory_space<semaphore_mem>>)
    %dma_start3A_14 = arith.constant 0 : i32
    %dma_start3A_15 = tpu.memref_slice %arg5[%dma_start3A_14, %mul3A_2] : memref<12x16384xf32, #tpu.memory_space<hbm>> -> memref<12x512xf32, #tpu.memory_space<hbm>>
    %dma_start3A_16 = arith.constant 0 : i32
    %dma_start3A_17 = tpu.memref_slice %arg5[%dma_start3A_16, %mul3A_2] : memref<12x16384xf32, #tpu.memory_space<hbm>> -> memref<12x512xf32, #tpu.memory_space<hbm>>
    tpu.enqueue_dma source(%dma_start3A_17 : memref<12x512xf32, #tpu.memory_space<hbm>>) target(%arg10 : memref<12x512xf32, #tpu.memory_space<vmem>>) target_semaphore(%arg14 : memref<!tpu.dma_semaphore, #tpu.memory_space<semaphore_mem>>)
    %broadcast_in_dim3A = arith.constant 0.000000e+00 : f32
    %broadcast_in_dim3A_18 = vector.broadcast %broadcast_in_dim3A : f32 to vector<16xf32>
    %scan3A = arith.constant 0 : i32
    %scan3A_19 = arith.constant 0 : i32
    %scan3A_20 = arith.constant 120 : i32
    %scan3A_21 = arith.addi %scan3A_19, %scan3A_20 : i32
    %scan3A_22 = arith.constant 1 : i32
    scf.for %scan3A_54 = %scan3A_19 to %scan3A_21 step %scan3A_22  : i32 {
      %mul3A_55 = arith.constant 16 : i32
      %mul3A_56 = arith.muli %scan3A_54, %mul3A_55 : i32
      %swap3A_57 = arith.index_cast %mul3A_56 : i32 to index
      %swap3A_58 = tpu.vector_load %arg11[%swap3A_57] {strides = array<i32>} : memref<1920xf32, #tpu.memory_space<vmem>>, vector<16xf32>,
      tpu.vector_store %arg11[%swap3A_57], %broadcast_in_dim3A_18 {strides = array<i32>} : memref<1920xf32, #tpu.memory_space<vmem>>, vector<16xf32>,
      %mul3A_59 = arith.constant 16 : i32
      %mul3A_60 = arith.muli %scan3A_54, %mul3A_59 : i32
      %swap3A_61 = arith.index_cast %mul3A_60 : i32 to index
      %swap3A_62 = tpu.vector_load %arg12[%swap3A_61] {strides = array<i32>} : memref<1920xf32, #tpu.memory_space<vmem>>, vector<16xf32>,
      tpu.vector_store %arg12[%swap3A_61], %broadcast_in_dim3A_18 {strides = array<i32>} : memref<1920xf32, #tpu.memory_space<vmem>>, vector<16xf32>,
    }
    %scan3A_23 = arith.constant 120 : i32
    %dma_wait3A = arith.constant 0 : i32
    %dma_wait3A_24 = tpu.memref_slice %arg2[%dma_wait3A, %mul3A_2] : memref<12x16384xi32, #tpu.memory_space<hbm>> -> memref<12x512xi32, #tpu.memory_space<hbm>>
    %dma_wait3A_25 = arith.constant 0 : i32
    %dma_wait3A_26 = tpu.memref_slice %arg2[%dma_wait3A_25, %mul3A_2] : memref<12x16384xi32, #tpu.memory_space<hbm>> -> memref<12x512xi32, #tpu.memory_space<hbm>>
    tpu.wait_dma2 semaphore(%arg14 : memref<!tpu.dma_semaphore, #tpu.memory_space<semaphore_mem>>) src(%dma_wait3A_26 : memref<12x512xi32, #tpu.memory_space<hbm>>) dst(%arg7 : memref<12x512xi32, #tpu.memory_space<vmem>>)
    %dma_wait3A_27 = arith.constant 0 : i32
    %dma_wait3A_28 = tpu.memref_slice %arg3[%dma_wait3A_27, %mul3A_2] : memref<12x16384xf32, #tpu.memory_space<hbm>> -> memref<12x512xf32, #tpu.memory_space<hbm>>
    %dma_wait3A_29 = arith.constant 0 : i32
    %dma_wait3A_30 = tpu.memref_slice %arg3[%dma_wait3A_29, %mul3A_2] : memref<12x16384xf32, #tpu.memory_space<hbm>> -> memref<12x512xf32, #tpu.memory_space<hbm>>
    tpu.wait_dma2 semaphore(%arg14 : memref<!tpu.dma_semaphore, #tpu.memory_space<semaphore_mem>>) src(%dma_wait3A_30 : memref<12x512xf32, #tpu.memory_space<hbm>>) dst(%arg8 : memref<12x512xf32, #tpu.memory_space<vmem>>)
    %dma_wait3A_31 = arith.constant 0 : i32
    %dma_wait3A_32 = tpu.memref_slice %arg4[%dma_wait3A_31, %mul3A_2] : memref<12x16384xi32, #tpu.memory_space<hbm>> -> memref<12x512xi32, #tpu.memory_space<hbm>>
    %dma_wait3A_33 = arith.constant 0 : i32
    %dma_wait3A_34 = tpu.memref_slice %arg4[%dma_wait3A_33, %mul3A_2] : memref<12x16384xi32, #tpu.memory_space<hbm>> -> memref<12x512xi32, #tpu.memory_space<hbm>>
    tpu.wait_dma2 semaphore(%arg14 : memref<!tpu.dma_semaphore, #tpu.memory_space<semaphore_mem>>) src(%dma_wait3A_34 : memref<12x512xi32, #tpu.memory_space<hbm>>) dst(%arg9 : memref<12x512xi32, #tpu.memory_space<vmem>>)
    %dma_wait3A_35 = arith.constant 0 : i32
    %dma_wait3A_36 = tpu.memref_slice %arg5[%dma_wait3A_35, %mul3A_2] : memref<12x16384xf32, #tpu.memory_space<hbm>> -> memref<12x512xf32, #tpu.memory_space<hbm>>
    %dma_wait3A_37 = arith.constant 0 : i32
    %dma_wait3A_38 = tpu.memref_slice %arg5[%dma_wait3A_37, %mul3A_2] : memref<12x16384xf32, #tpu.memory_space<hbm>> -> memref<12x512xf32, #tpu.memory_space<hbm>>
    tpu.wait_dma2 semaphore(%arg14 : memref<!tpu.dma_semaphore, #tpu.memory_space<semaphore_mem>>) src(%dma_wait3A_38 : memref<12x512xf32, #tpu.memory_space<hbm>>) dst(%arg10 : memref<12x512xf32, #tpu.memory_space<vmem>>)
    %iota3A = tpu.iota {dimensions = array<i32: 0>} : vector<16xi32>
    %sub3A = arith.constant 16 : i32
    %sub3A_39 = vector.broadcast %sub3A : i32 to vector<16xi32>
    %sub3A_40 = arith.subi %iota3A, %sub3A_39 : vector<16xi32>
    %scan3A_41 = arith.constant 0 : i32
    %scan3A_42 = arith.constant 32 : i32
    %scan3A_43 = arith.addi %scan3A_41, %scan3A_42 : i32
    %scan3A_44 = arith.constant 1 : i32
    %scan3A_45:2 = scf.for %scan3A_54 = %scan3A_41 to %scan3A_43 step %scan3A_44 iter_args(%scan3A_55 = %broadcast_in_dim3A_18, %scan3A_56 = %broadcast_in_dim3A_18) -> (vector<16xf32>, vector<16xf32>)  : i32 {
      %mul3A_57 = arith.constant 16 : i32
      %mul3A_58 = arith.muli %scan3A_54, %mul3A_57 : i32
      %get3A = arith.constant 0 : i32
      %get3A_59 = arith.index_cast %get3A : i32 to index
      %get3A_60 = arith.index_cast %mul3A_58 : i32 to index
      %get3A_61 = tpu.vector_load %arg9[%get3A_59, %get3A_60] {strides = array<i32>} : memref<12x512xi32, #tpu.memory_space<vmem>>, vector<16xi32>,
      %max3A = arith.constant 1 : i32
      %max3A_62 = vector.broadcast %max3A : i32 to vector<16xi32>
      %max3A_63 = arith.maxsi %get3A_61, %max3A_62 : vector<16xi32>
      %mul3A_64 = arith.constant 16 : i32
      %mul3A_65 = vector.broadcast %mul3A_64 : i32 to vector<16xi32>
      %mul3A_66 = arith.muli %max3A_63, %mul3A_65 : vector<16xi32>
      %add3A_67 = arith.addi %mul3A_66, %sub3A_40 : vector<16xi32>
      %get3A_68 = arith.constant 0 : i32
      %get3A_69 = arith.index_cast %get3A_68 : i32 to index
      %get3A_70 = arith.index_cast %mul3A_58 : i32 to index
      %get3A_71 = tpu.vector_load %arg10[%get3A_69, %get3A_70] {strides = array<i32>} : memref<12x512xf32, #tpu.memory_space<vmem>>, vector<16xf32>,
      %max3A_72 = arith.constant 0.000000e+00 : f32
      %max3A_73 = vector.broadcast %max3A_72 : f32 to vector<16xf32>
      %max3A_74 = arith.maximumf %get3A_71, %max3A_73 : vector<16xf32>
      %get3A_75 = arith.constant 1 : i32
      %get3A_76 = arith.index_cast %get3A_75 : i32 to index
      %get3A_77 = arith.index_cast %mul3A_58 : i32 to index
      %get3A_78 = tpu.vector_load %arg9[%get3A_76, %get3A_77] {strides = array<i32>} : memref<12x512xi32, #tpu.memory_space<vmem>>, vector<16xi32>,
      %max3A_79 = arith.constant 1 : i32
      %max3A_80 = vector.broadcast %max3A_79 : i32 to vector<16xi32>
      %max3A_81 = arith.maxsi %get3A_78, %max3A_80 : vector<16xi32>
      %mul3A_82 = arith.constant 16 : i32
      %mul3A_83 = vector.broadcast %mul3A_82 : i32 to vector<16xi32>
      %mul3A_84 = arith.muli %max3A_81, %mul3A_83 : vector<16xi32>
      %add3A_85 = arith.addi %mul3A_84, %sub3A_40 : vector<16xi32>
      %get3A_86 = arith.constant 1 : i32
      %get3A_87 = arith.index_cast %get3A_86 : i32 to index
      %get3A_88 = arith.index_cast %mul3A_58 : i32 to index
      %get3A_89 = tpu.vector_load %arg10[%get3A_87, %get3A_88] {strides = array<i32>} : memref<12x512xf32, #tpu.memory_space<vmem>>, vector<16xf32>,
      %max3A_90 = arith.constant 0.000000e+00 : f32
      %max3A_91 = vector.broadcast %max3A_90 : f32 to vector<16xf32>
      %max3A_92 = arith.maximumf %get3A_89, %max3A_91 : vector<16xf32>
      %get3A_93 = arith.constant 2 : i32
      %get3A_94 = arith.index_cast %get3A_93 : i32 to index
      %get3A_95 = arith.index_cast %mul3A_58 : i32 to index
      %get3A_96 = tpu.vector_load %arg9[%get3A_94, %get3A_95] {strides = array<i32>} : memref<12x512xi32, #tpu.memory_space<vmem>>, vector<16xi32>,
      %max3A_97 = arith.constant 1 : i32
      %max3A_98 = vector.broadcast %max3A_97 : i32 to vector<16xi32>
      %max3A_99 = arith.maxsi %get3A_96, %max3A_98 : vector<16xi32>
      %mul3A_100 = arith.constant 16 : i32
      %mul3A_101 = vector.broadcast %mul3A_100 : i32 to vector<16xi32>
      %mul3A_102 = arith.muli %max3A_99, %mul3A_101 : vector<16xi32>
      %add3A_103 = arith.addi %mul3A_102, %sub3A_40 : vector<16xi32>
      %get3A_104 = arith.constant 2 : i32
      %get3A_105 = arith.index_cast %get3A_104 : i32 to index
      %get3A_106 = arith.index_cast %mul3A_58 : i32 to index
      %get3A_107 = tpu.vector_load %arg10[%get3A_105, %get3A_106] {strides = array<i32>} : memref<12x512xf32, #tpu.memory_space<vmem>>, vector<16xf32>,
      %max3A_108 = arith.constant 0.000000e+00 : f32
      %max3A_109 = vector.broadcast %max3A_108 : f32 to vector<16xf32>
      %max3A_110 = arith.maximumf %get3A_107, %max3A_109 : vector<16xf32>
      %get3A_111 = arith.constant 3 : i32
      %get3A_112 = arith.index_cast %get3A_111 : i32 to index
      %get3A_113 = arith.index_cast %mul3A_58 : i32 to index
      %get3A_114 = tpu.vector_load %arg9[%get3A_112, %get3A_113] {strides = array<i32>} : memref<12x512xi32, #tpu.memory_space<vmem>>, vector<16xi32>,
      %max3A_115 = arith.constant 1 : i32
      %max3A_116 = vector.broadcast %max3A_115 : i32 to vector<16xi32>
      %max3A_117 = arith.maxsi %get3A_114, %max3A_116 : vector<16xi32>
      %mul3A_118 = arith.constant 16 : i32
      %mul3A_119 = vector.broadcast %mul3A_118 : i32 to vector<16xi32>
      %mul3A_120 = arith.muli %max3A_117, %mul3A_119 : vector<16xi32>
      %add3A_121 = arith.addi %mul3A_120, %sub3A_40 : vector<16xi32>
      %get3A_122 = arith.constant 3 : i32
      %get3A_123 = arith.index_cast %get3A_122 : i32 to index
      %get3A_124 = arith.index_cast %mul3A_58 : i32 to index
      %get3A_125 = tpu.vector_load %arg10[%get3A_123, %get3A_124] {strides = array<i32>} : memref<12x512xf32, #tpu.memory_space<vmem>>, vector<16xf32>,
      %max3A_126 = arith.constant 0.000000e+00 : f32
      %max3A_127 = vector.broadcast %max3A_126 : f32 to vector<16xf32>
      %max3A_128 = arith.maximumf %get3A_125, %max3A_127 : vector<16xf32>
      %get3A_129 = arith.constant 4 : i32
      %get3A_130 = arith.index_cast %get3A_129 : i32 to index
      %get3A_131 = arith.index_cast %mul3A_58 : i32 to index
      %get3A_132 = tpu.vector_load %arg9[%get3A_130, %get3A_131] {strides = array<i32>} : memref<12x512xi32, #tpu.memory_space<vmem>>, vector<16xi32>,
      %max3A_133 = arith.constant 1 : i32
      %max3A_134 = vector.broadcast %max3A_133 : i32 to vector<16xi32>
      %max3A_135 = arith.maxsi %get3A_132, %max3A_134 : vector<16xi32>
      %mul3A_136 = arith.constant 16 : i32
      %mul3A_137 = vector.broadcast %mul3A_136 : i32 to vector<16xi32>
      %mul3A_138 = arith.muli %max3A_135, %mul3A_137 : vector<16xi32>
      %add3A_139 = arith.addi %mul3A_138, %sub3A_40 : vector<16xi32>
      %get3A_140 = arith.constant 4 : i32
      %get3A_141 = arith.index_cast %get3A_140 : i32 to index
      %get3A_142 = arith.index_cast %mul3A_58 : i32 to index
      %get3A_143 = tpu.vector_load %arg10[%get3A_141, %get3A_142] {strides = array<i32>} : memref<12x512xf32, #tpu.memory_space<vmem>>, vector<16xf32>,
      %max3A_144 = arith.constant 0.000000e+00 : f32
      %max3A_145 = vector.broadcast %max3A_144 : f32 to vector<16xf32>
      %max3A_146 = arith.maximumf %get3A_143, %max3A_145 : vector<16xf32>
      %get3A_147 = arith.constant 5 : i32
      %get3A_148 = arith.index_cast %get3A_147 : i32 to index
      %get3A_149 = arith.index_cast %mul3A_58 : i32 to index
      %get3A_150 = tpu.vector_load %arg9[%get3A_148, %get3A_149] {strides = array<i32>} : memref<12x512xi32, #tpu.memory_space<vmem>>, vector<16xi32>,
      %max3A_151 = arith.constant 1 : i32
      %max3A_152 = vector.broadcast %max3A_151 : i32 to vector<16xi32>
      %max3A_153 = arith.maxsi %get3A_150, %max3A_152 : vector<16xi32>
      %mul3A_154 = arith.constant 16 : i32
      %mul3A_155 = vector.broadcast %mul3A_154 : i32 to vector<16xi32>
      %mul3A_156 = arith.muli %max3A_153, %mul3A_155 : vector<16xi32>
      %add3A_157 = arith.addi %mul3A_156, %sub3A_40 : vector<16xi32>
      %get3A_158 = arith.constant 5 : i32
      %get3A_159 = arith.index_cast %get3A_158 : i32 to index
      %get3A_160 = arith.index_cast %mul3A_58 : i32 to index
      %get3A_161 = tpu.vector_load %arg10[%get3A_159, %get3A_160] {strides = array<i32>} : memref<12x512xf32, #tpu.memory_space<vmem>>, vector<16xf32>,
      %max3A_162 = arith.constant 0.000000e+00 : f32
      %max3A_163 = vector.broadcast %max3A_162 : f32 to vector<16xf32>
      %max3A_164 = arith.maximumf %get3A_161, %max3A_163 : vector<16xf32>
      %get3A_165 = arith.constant 6 : i32
      %get3A_166 = arith.index_cast %get3A_165 : i32 to index
      %get3A_167 = arith.index_cast %mul3A_58 : i32 to index
      %get3A_168 = tpu.vector_load %arg9[%get3A_166, %get3A_167] {strides = array<i32>} : memref<12x512xi32, #tpu.memory_space<vmem>>, vector<16xi32>,
      %max3A_169 = arith.constant 1 : i32
      %max3A_170 = vector.broadcast %max3A_169 : i32 to vector<16xi32>
      %max3A_171 = arith.maxsi %get3A_168, %max3A_170 : vector<16xi32>
      %mul3A_172 = arith.constant 16 : i32
      %mul3A_173 = vector.broadcast %mul3A_172 : i32 to vector<16xi32>
      %mul3A_174 = arith.muli %max3A_171, %mul3A_173 : vector<16xi32>
      %add3A_175 = arith.addi %mul3A_174, %sub3A_40 : vector<16xi32>
      %get3A_176 = arith.constant 6 : i32
      %get3A_177 = arith.index_cast %get3A_176 : i32 to index
      %get3A_178 = arith.index_cast %mul3A_58 : i32 to index
      %get3A_179 = tpu.vector_load %arg10[%get3A_177, %get3A_178] {strides = array<i32>} : memref<12x512xf32, #tpu.memory_space<vmem>>, vector<16xf32>,
      %max3A_180 = arith.constant 0.000000e+00 : f32
      %max3A_181 = vector.broadcast %max3A_180 : f32 to vector<16xf32>
      %max3A_182 = arith.maximumf %get3A_179, %max3A_181 : vector<16xf32>
      %get3A_183 = arith.constant 7 : i32
      %get3A_184 = arith.index_cast %get3A_183 : i32 to index
      %get3A_185 = arith.index_cast %mul3A_58 : i32 to index
      %get3A_186 = tpu.vector_load %arg9[%get3A_184, %get3A_185] {strides = array<i32>} : memref<12x512xi32, #tpu.memory_space<vmem>>, vector<16xi32>,
      %max3A_187 = arith.constant 1 : i32
      %max3A_188 = vector.broadcast %max3A_187 : i32 to vector<16xi32>
      %max3A_189 = arith.maxsi %get3A_186, %max3A_188 : vector<16xi32>
      %mul3A_190 = arith.constant 16 : i32
      %mul3A_191 = vector.broadcast %mul3A_190 : i32 to vector<16xi32>
      %mul3A_192 = arith.muli %max3A_189, %mul3A_191 : vector<16xi32>
      %add3A_193 = arith.addi %mul3A_192, %sub3A_40 : vector<16xi32>
      %get3A_194 = arith.constant 7 : i32
      %get3A_195 = arith.index_cast %get3A_194 : i32 to index
      %get3A_196 = arith.index_cast %mul3A_58 : i32 to index
      %get3A_197 = tpu.vector_load %arg10[%get3A_195, %get3A_196] {strides = array<i32>} : memref<12x512xf32, #tpu.memory_space<vmem>>, vector<16xf32>,
      %max3A_198 = arith.constant 0.000000e+00 : f32
      %max3A_199 = vector.broadcast %max3A_198 : f32 to vector<16xf32>
      %max3A_200 = arith.maximumf %get3A_197, %max3A_199 : vector<16xf32>
      %get3A_201 = arith.constant 8 : i32
      %get3A_202 = arith.index_cast %get3A_201 : i32 to index
      %get3A_203 = arith.index_cast %mul3A_58 : i32 to index
      %get3A_204 = tpu.vector_load %arg9[%get3A_202, %get3A_203] {strides = array<i32>} : memref<12x512xi32, #tpu.memory_space<vmem>>, vector<16xi32>,
      %max3A_205 = arith.constant 1 : i32
      %max3A_206 = vector.broadcast %max3A_205 : i32 to vector<16xi32>
      %max3A_207 = arith.maxsi %get3A_204, %max3A_206 : vector<16xi32>
      %mul3A_208 = arith.constant 16 : i32
      %mul3A_209 = vector.broadcast %mul3A_208 : i32 to vector<16xi32>
      %mul3A_210 = arith.muli %max3A_207, %mul3A_209 : vector<16xi32>
      %add3A_211 = arith.addi %mul3A_210, %sub3A_40 : vector<16xi32>
      %get3A_212 = arith.constant 8 : i32
      %get3A_213 = arith.index_cast %get3A_212 : i32 to index
      %get3A_214 = arith.index_cast %mul3A_58 : i32 to index
      %get3A_215 = tpu.vector_load %arg10[%get3A_213, %get3A_214] {strides = array<i32>} : memref<12x512xf32, #tpu.memory_space<vmem>>, vector<16xf32>,
      %max3A_216 = arith.constant 0.000000e+00 : f32
      %max3A_217 = vector.broadcast %max3A_216 : f32 to vector<16xf32>
      %max3A_218 = arith.maximumf %get3A_215, %max3A_217 : vector<16xf32>
      %get3A_219 = arith.constant 9 : i32
      %get3A_220 = arith.index_cast %get3A_219 : i32 to index
      %get3A_221 = arith.index_cast %mul3A_58 : i32 to index
      %get3A_222 = tpu.vector_load %arg9[%get3A_220, %get3A_221] {strides = array<i32>} : memref<12x512xi32, #tpu.memory_space<vmem>>, vector<16xi32>,
      %max3A_223 = arith.constant 1 : i32
      %max3A_224 = vector.broadcast %max3A_223 : i32 to vector<16xi32>
      %max3A_225 = arith.maxsi %get3A_222, %max3A_224 : vector<16xi32>
      %mul3A_226 = arith.constant 16 : i32
      %mul3A_227 = vector.broadcast %mul3A_226 : i32 to vector<16xi32>
      %mul3A_228 = arith.muli %max3A_225, %mul3A_227 : vector<16xi32>
      %add3A_229 = arith.addi %mul3A_228, %sub3A_40 : vector<16xi32>
      %get3A_230 = arith.constant 9 : i32
      %get3A_231 = arith.index_cast %get3A_230 : i32 to index
      %get3A_232 = arith.index_cast %mul3A_58 : i32 to index
      %get3A_233 = tpu.vector_load %arg10[%get3A_231, %get3A_232] {strides = array<i32>} : memref<12x512xf32, #tpu.memory_space<vmem>>, vector<16xf32>,
      %max3A_234 = arith.constant 0.000000e+00 : f32
      %max3A_235 = vector.broadcast %max3A_234 : f32 to vector<16xf32>
      %max3A_236 = arith.maximumf %get3A_233, %max3A_235 : vector<16xf32>
      %get3A_237 = arith.constant 10 : i32
      %get3A_238 = arith.index_cast %get3A_237 : i32 to index
      %get3A_239 = arith.index_cast %mul3A_58 : i32 to index
      %get3A_240 = tpu.vector_load %arg9[%get3A_238, %get3A_239] {strides = array<i32>} : memref<12x512xi32, #tpu.memory_space<vmem>>, vector<16xi32>,
      %max3A_241 = arith.constant 1 : i32
      %max3A_242 = vector.broadcast %max3A_241 : i32 to vector<16xi32>
      %max3A_243 = arith.maxsi %get3A_240, %max3A_242 : vector<16xi32>
      %mul3A_244 = arith.constant 16 : i32
      %mul3A_245 = vector.broadcast %mul3A_244 : i32 to vector<16xi32>
      %mul3A_246 = arith.muli %max3A_243, %mul3A_245 : vector<16xi32>
      %add3A_247 = arith.addi %mul3A_246, %sub3A_40 : vector<16xi32>
      %get3A_248 = arith.constant 10 : i32
      %get3A_249 = arith.index_cast %get3A_248 : i32 to index
      %get3A_250 = arith.index_cast %mul3A_58 : i32 to index
      %get3A_251 = tpu.vector_load %arg10[%get3A_249, %get3A_250] {strides = array<i32>} : memref<12x512xf32, #tpu.memory_space<vmem>>, vector<16xf32>,
      %max3A_252 = arith.constant 0.000000e+00 : f32
      %max3A_253 = vector.broadcast %max3A_252 : f32 to vector<16xf32>
      %max3A_254 = arith.maximumf %get3A_251, %max3A_253 : vector<16xf32>
      %get3A_255 = arith.constant 11 : i32
      %get3A_256 = arith.index_cast %get3A_255 : i32 to index
      %get3A_257 = arith.index_cast %mul3A_58 : i32 to index
      %get3A_258 = tpu.vector_load %arg9[%get3A_256, %get3A_257] {strides = array<i32>} : memref<12x512xi32, #tpu.memory_space<vmem>>, vector<16xi32>,
      %max3A_259 = arith.constant 1 : i32
      %max3A_260 = vector.broadcast %max3A_259 : i32 to vector<16xi32>
      %max3A_261 = arith.maxsi %get3A_258, %max3A_260 : vector<16xi32>
      %mul3A_262 = arith.constant 16 : i32
      %mul3A_263 = vector.broadcast %mul3A_262 : i32 to vector<16xi32>
      %mul3A_264 = arith.muli %max3A_261, %mul3A_263 : vector<16xi32>
      %add3A_265 = arith.addi %mul3A_264, %sub3A_40 : vector<16xi32>
      %get3A_266 = arith.constant 11 : i32
      %get3A_267 = arith.index_cast %get3A_266 : i32 to index
      %get3A_268 = arith.index_cast %mul3A_58 : i32 to index
      %get3A_269 = tpu.vector_load %arg10[%get3A_267, %get3A_268] {strides = array<i32>} : memref<12x512xf32, #tpu.memory_space<vmem>>, vector<16xf32>,
      %max3A_270 = arith.constant 0.000000e+00 : f32
      %max3A_271 = vector.broadcast %max3A_270 : f32 to vector<16xf32>
      %max3A_272 = arith.maximumf %get3A_269, %max3A_271 : vector<16xf32>
      tpu.vector_store_idx %arg12[%add3A_67], %max3A_74 {add = true} : memref<1920xf32, #tpu.memory_space<vmem>>[vector<16xi32>], vector<16xf32>,
      tpu.vector_store_idx %arg12[%add3A_85], %max3A_92 {add = true} : memref<1920xf32, #tpu.memory_space<vmem>>[vector<16xi32>], vector<16xf32>,
      tpu.vector_store_idx %arg12[%add3A_103], %max3A_110 {add = true} : memref<1920xf32, #tpu.memory_space<vmem>>[vector<16xi32>], vector<16xf32>,
      tpu.vector_store_idx %arg12[%add3A_121], %max3A_128 {add = true} : memref<1920xf32, #tpu.memory_space<vmem>>[vector<16xi32>], vector<16xf32>,
      tpu.vector_store_idx %arg12[%add3A_139], %max3A_146 {add = true} : memref<1920xf32, #tpu.memory_space<vmem>>[vector<16xi32>], vector<16xf32>,
      tpu.vector_store_idx %arg12[%add3A_157], %max3A_164 {add = true} : memref<1920xf32, #tpu.memory_space<vmem>>[vector<16xi32>], vector<16xf32>,
      tpu.vector_store_idx %arg12[%add3A_175], %max3A_182 {add = true} : memref<1920xf32, #tpu.memory_space<vmem>>[vector<16xi32>], vector<16xf32>,
      tpu.vector_store_idx %arg12[%add3A_193], %max3A_200 {add = true} : memref<1920xf32, #tpu.memory_space<vmem>>[vector<16xi32>], vector<16xf32>,
      tpu.vector_store_idx %arg12[%add3A_211], %max3A_218 {add = true} : memref<1920xf32, #tpu.memory_space<vmem>>[vector<16xi32>], vector<16xf32>,
      tpu.vector_store_idx %arg12[%add3A_229], %max3A_236 {add = true} : memref<1920xf32, #tpu.memory_space<vmem>>[vector<16xi32>], vector<16xf32>,
      tpu.vector_store_idx %arg12[%add3A_247], %max3A_254 {add = true} : memref<1920xf32, #tpu.memory_space<vmem>>[vector<16xi32>], vector<16xf32>,
      tpu.vector_store_idx %arg12[%add3A_265], %max3A_272 {add = true} : memref<1920xf32, #tpu.memory_space<vmem>>[vector<16xi32>], vector<16xf32>,
      %gather3A = tpu.vector_load_idx %arg12[%add3A_67] : memref<1920xf32, #tpu.memory_space<vmem>>[vector<16xi32>], vector<16xf32>,
      %mul3A_273 = arith.mulf %max3A_74, %gather3A : vector<16xf32>
      %add3A_274 = arith.addf %broadcast_in_dim3A_18, %mul3A_273 : vector<16xf32>
      %gather3A_275 = tpu.vector_load_idx %arg12[%add3A_85] : memref<1920xf32, #tpu.memory_space<vmem>>[vector<16xi32>], vector<16xf32>,
      %mul3A_276 = arith.mulf %max3A_92, %gather3A_275 : vector<16xf32>
      %add3A_277 = arith.addf %broadcast_in_dim3A_18, %mul3A_276 : vector<16xf32>
      %gather3A_278 = tpu.vector_load_idx %arg12[%add3A_103] : memref<1920xf32, #tpu.memory_space<vmem>>[vector<16xi32>], vector<16xf32>,
      %mul3A_279 = arith.mulf %max3A_110, %gather3A_278 : vector<16xf32>
      %add3A_280 = arith.addf %broadcast_in_dim3A_18, %mul3A_279 : vector<16xf32>
      %gather3A_281 = tpu.vector_load_idx %arg12[%add3A_121] : memref<1920xf32, #tpu.memory_space<vmem>>[vector<16xi32>], vector<16xf32>,
      %mul3A_282 = arith.mulf %max3A_128, %gather3A_281 : vector<16xf32>
      %add3A_283 = arith.addf %add3A_274, %mul3A_282 : vector<16xf32>
      %gather3A_284 = tpu.vector_load_idx %arg12[%add3A_139] : memref<1920xf32, #tpu.memory_space<vmem>>[vector<16xi32>], vector<16xf32>,
      %mul3A_285 = arith.mulf %max3A_146, %gather3A_284 : vector<16xf32>
      %add3A_286 = arith.addf %add3A_277, %mul3A_285 : vector<16xf32>
      %gather3A_287 = tpu.vector_load_idx %arg12[%add3A_157] : memref<1920xf32, #tpu.memory_space<vmem>>[vector<16xi32>], vector<16xf32>,
      %mul3A_288 = arith.mulf %max3A_164, %gather3A_287 : vector<16xf32>
      %add3A_289 = arith.addf %add3A_280, %mul3A_288 : vector<16xf32>
      %gather3A_290 = tpu.vector_load_idx %arg12[%add3A_175] : memref<1920xf32, #tpu.memory_space<vmem>>[vector<16xi32>], vector<16xf32>,
      %mul3A_291 = arith.mulf %max3A_182, %gather3A_290 : vector<16xf32>
      %add3A_292 = arith.addf %add3A_283, %mul3A_291 : vector<16xf32>
      %gather3A_293 = tpu.vector_load_idx %arg12[%add3A_193] : memref<1920xf32, #tpu.memory_space<vmem>>[vector<16xi32>], vector<16xf32>,
      %mul3A_294 = arith.mulf %max3A_200, %gather3A_293 : vector<16xf32>
      %add3A_295 = arith.addf %add3A_286, %mul3A_294 : vector<16xf32>
      %gather3A_296 = tpu.vector_load_idx %arg12[%add3A_211] : memref<1920xf32, #tpu.memory_space<vmem>>[vector<16xi32>], vector<16xf32>,
      %mul3A_297 = arith.mulf %max3A_218, %gather3A_296 : vector<16xf32>
      %add3A_298 = arith.addf %add3A_289, %mul3A_297 : vector<16xf32>
      %gather3A_299 = tpu.vector_load_idx %arg12[%add3A_229] : memref<1920xf32, #tpu.memory_space<vmem>>[vector<16xi32>], vector<16xf32>,
      %mul3A_300 = arith.mulf %max3A_236, %gather3A_299 : vector<16xf32>
      %add3A_301 = arith.addf %add3A_292, %mul3A_300 : vector<16xf32>
      %gather3A_302 = tpu.vector_load_idx %arg12[%add3A_247] : memref<1920xf32, #tpu.memory_space<vmem>>[vector<16xi32>], vector<16xf32>,
      %mul3A_303 = arith.mulf %max3A_254, %gather3A_302 : vector<16xf32>
      %add3A_304 = arith.addf %add3A_295, %mul3A_303 : vector<16xf32>
      %gather3A_305 = tpu.vector_load_idx %arg12[%add3A_265] : memref<1920xf32, #tpu.memory_space<vmem>>[vector<16xi32>], vector<16xf32>,
      %mul3A_306 = arith.mulf %max3A_272, %gather3A_305 : vector<16xf32>
      %add3A_307 = arith.addf %add3A_298, %mul3A_306 : vector<16xf32>
      %get3A_308 = arith.constant 0 : i32
      %get3A_309 = arith.index_cast %get3A_308 : i32 to index
      %get3A_310 = arith.index_cast %mul3A_58 : i32 to index
      %get3A_311 = tpu.vector_load %arg7[%get3A_309, %get3A_310] {strides = array<i32>} : memref<12x512xi32, #tpu.memory_space<vmem>>, vector<16xi32>,
      %max3A_312 = arith.constant 1 : i32
      %max3A_313 = vector.broadcast %max3A_312 : i32 to vector<16xi32>
      %max3A_314 = arith.maxsi %get3A_311, %max3A_313 : vector<16xi32>
      %mul3A_315 = arith.constant 16 : i32
      %mul3A_316 = vector.broadcast %mul3A_315 : i32 to vector<16xi32>
      %mul3A_317 = arith.muli %max3A_314, %mul3A_316 : vector<16xi32>
      %add3A_318 = arith.addi %mul3A_317, %sub3A_40 : vector<16xi32>
      %get3A_319 = arith.constant 0 : i32
      %get3A_320 = arith.index_cast %get3A_319 : i32 to index
      %get3A_321 = arith.index_cast %mul3A_58 : i32 to index
      %get3A_322 = tpu.vector_load %arg8[%get3A_320, %get3A_321] {strides = array<i32>} : memref<12x512xf32, #tpu.memory_space<vmem>>, vector<16xf32>,
      %max3A_323 = arith.constant 0.000000e+00 : f32
      %max3A_324 = vector.broadcast %max3A_323 : f32 to vector<16xf32>
      %max3A_325 = arith.maximumf %get3A_322, %max3A_324 : vector<16xf32>
      %get3A_326 = arith.constant 1 : i32
      %get3A_327 = arith.index_cast %get3A_326 : i32 to index
      %get3A_328 = arith.index_cast %mul3A_58 : i32 to index
      %get3A_329 = tpu.vector_load %arg7[%get3A_327, %get3A_328] {strides = array<i32>} : memref<12x512xi32, #tpu.memory_space<vmem>>, vector<16xi32>,
      %max3A_330 = arith.constant 1 : i32
      %max3A_331 = vector.broadcast %max3A_330 : i32 to vector<16xi32>
      %max3A_332 = arith.maxsi %get3A_329, %max3A_331 : vector<16xi32>
      %mul3A_333 = arith.constant 16 : i32
      %mul3A_334 = vector.broadcast %mul3A_333 : i32 to vector<16xi32>
      %mul3A_335 = arith.muli %max3A_332, %mul3A_334 : vector<16xi32>
      %add3A_336 = arith.addi %mul3A_335, %sub3A_40 : vector<16xi32>
      %get3A_337 = arith.constant 1 : i32
      %get3A_338 = arith.index_cast %get3A_337 : i32 to index
      %get3A_339 = arith.index_cast %mul3A_58 : i32 to index
      %get3A_340 = tpu.vector_load %arg8[%get3A_338, %get3A_339] {strides = array<i32>} : memref<12x512xf32, #tpu.memory_space<vmem>>, vector<16xf32>,
      %max3A_341 = arith.constant 0.000000e+00 : f32
      %max3A_342 = vector.broadcast %max3A_341 : f32 to vector<16xf32>
      %max3A_343 = arith.maximumf %get3A_340, %max3A_342 : vector<16xf32>
      %get3A_344 = arith.constant 2 : i32
      %get3A_345 = arith.index_cast %get3A_344 : i32 to index
      %get3A_346 = arith.index_cast %mul3A_58 : i32 to index
      %get3A_347 = tpu.vector_load %arg7[%get3A_345, %get3A_346] {strides = array<i32>} : memref<12x512xi32, #tpu.memory_space<vmem>>, vector<16xi32>,
      %max3A_348 = arith.constant 1 : i32
      %max3A_349 = vector.broadcast %max3A_348 : i32 to vector<16xi32>
      %max3A_350 = arith.maxsi %get3A_347, %max3A_349 : vector<16xi32>
      %mul3A_351 = arith.constant 16 : i32
      %mul3A_352 = vector.broadcast %mul3A_351 : i32 to vector<16xi32>
      %mul3A_353 = arith.muli %max3A_350, %mul3A_352 : vector<16xi32>
      %add3A_354 = arith.addi %mul3A_353, %sub3A_40 : vector<16xi32>
      %get3A_355 = arith.constant 2 : i32
      %get3A_356 = arith.index_cast %get3A_355 : i32 to index
      %get3A_357 = arith.index_cast %mul3A_58 : i32 to index
      %get3A_358 = tpu.vector_load %arg8[%get3A_356, %get3A_357] {strides = array<i32>} : memref<12x512xf32, #tpu.memory_space<vmem>>, vector<16xf32>,
      %max3A_359 = arith.constant 0.000000e+00 : f32
      %max3A_360 = vector.broadcast %max3A_359 : f32 to vector<16xf32>
      %max3A_361 = arith.maximumf %get3A_358, %max3A_360 : vector<16xf32>
      %get3A_362 = arith.constant 3 : i32
      %get3A_363 = arith.index_cast %get3A_362 : i32 to index
      %get3A_364 = arith.index_cast %mul3A_58 : i32 to index
      %get3A_365 = tpu.vector_load %arg7[%get3A_363, %get3A_364] {strides = array<i32>} : memref<12x512xi32, #tpu.memory_space<vmem>>, vector<16xi32>,
      %max3A_366 = arith.constant 1 : i32
      %max3A_367 = vector.broadcast %max3A_366 : i32 to vector<16xi32>
      %max3A_368 = arith.maxsi %get3A_365, %max3A_367 : vector<16xi32>
      %mul3A_369 = arith.constant 16 : i32
      %mul3A_370 = vector.broadcast %mul3A_369 : i32 to vector<16xi32>
      %mul3A_371 = arith.muli %max3A_368, %mul3A_370 : vector<16xi32>
      %add3A_372 = arith.addi %mul3A_371, %sub3A_40 : vector<16xi32>
      %get3A_373 = arith.constant 3 : i32
      %get3A_374 = arith.index_cast %get3A_373 : i32 to index
      %get3A_375 = arith.index_cast %mul3A_58 : i32 to index
      %get3A_376 = tpu.vector_load %arg8[%get3A_374, %get3A_375] {strides = array<i32>} : memref<12x512xf32, #tpu.memory_space<vmem>>, vector<16xf32>,
      %max3A_377 = arith.constant 0.000000e+00 : f32
      %max3A_378 = vector.broadcast %max3A_377 : f32 to vector<16xf32>
      %max3A_379 = arith.maximumf %get3A_376, %max3A_378 : vector<16xf32>
      %get3A_380 = arith.constant 4 : i32
      %get3A_381 = arith.index_cast %get3A_380 : i32 to index
      %get3A_382 = arith.index_cast %mul3A_58 : i32 to index
      %get3A_383 = tpu.vector_load %arg7[%get3A_381, %get3A_382] {strides = array<i32>} : memref<12x512xi32, #tpu.memory_space<vmem>>, vector<16xi32>,
      %max3A_384 = arith.constant 1 : i32
      %max3A_385 = vector.broadcast %max3A_384 : i32 to vector<16xi32>
      %max3A_386 = arith.maxsi %get3A_383, %max3A_385 : vector<16xi32>
      %mul3A_387 = arith.constant 16 : i32
      %mul3A_388 = vector.broadcast %mul3A_387 : i32 to vector<16xi32>
      %mul3A_389 = arith.muli %max3A_386, %mul3A_388 : vector<16xi32>
      %add3A_390 = arith.addi %mul3A_389, %sub3A_40 : vector<16xi32>
      %get3A_391 = arith.constant 4 : i32
      %get3A_392 = arith.index_cast %get3A_391 : i32 to index
      %get3A_393 = arith.index_cast %mul3A_58 : i32 to index
      %get3A_394 = tpu.vector_load %arg8[%get3A_392, %get3A_393] {strides = array<i32>} : memref<12x512xf32, #tpu.memory_space<vmem>>, vector<16xf32>,
      %max3A_395 = arith.constant 0.000000e+00 : f32
      %max3A_396 = vector.broadcast %max3A_395 : f32 to vector<16xf32>
      %max3A_397 = arith.maximumf %get3A_394, %max3A_396 : vector<16xf32>
      %get3A_398 = arith.constant 5 : i32
      %get3A_399 = arith.index_cast %get3A_398 : i32 to index
      %get3A_400 = arith.index_cast %mul3A_58 : i32 to index
      %get3A_401 = tpu.vector_load %arg7[%get3A_399, %get3A_400] {strides = array<i32>} : memref<12x512xi32, #tpu.memory_space<vmem>>, vector<16xi32>,
      %max3A_402 = arith.constant 1 : i32
      %max3A_403 = vector.broadcast %max3A_402 : i32 to vector<16xi32>
      %max3A_404 = arith.maxsi %get3A_401, %max3A_403 : vector<16xi32>
      %mul3A_405 = arith.constant 16 : i32
      %mul3A_406 = vector.broadcast %mul3A_405 : i32 to vector<16xi32>
      %mul3A_407 = arith.muli %max3A_404, %mul3A_406 : vector<16xi32>
      %add3A_408 = arith.addi %mul3A_407, %sub3A_40 : vector<16xi32>
      %get3A_409 = arith.constant 5 : i32
      %get3A_410 = arith.index_cast %get3A_409 : i32 to index
      %get3A_411 = arith.index_cast %mul3A_58 : i32 to index
      %get3A_412 = tpu.vector_load %arg8[%get3A_410, %get3A_411] {strides = array<i32>} : memref<12x512xf32, #tpu.memory_space<vmem>>, vector<16xf32>,
      %max3A_413 = arith.constant 0.000000e+00 : f32
      %max3A_414 = vector.broadcast %max3A_413 : f32 to vector<16xf32>
      %max3A_415 = arith.maximumf %get3A_412, %max3A_414 : vector<16xf32>
      %get3A_416 = arith.constant 6 : i32
      %get3A_417 = arith.index_cast %get3A_416 : i32 to index
      %get3A_418 = arith.index_cast %mul3A_58 : i32 to index
      %get3A_419 = tpu.vector_load %arg7[%get3A_417, %get3A_418] {strides = array<i32>} : memref<12x512xi32, #tpu.memory_space<vmem>>, vector<16xi32>,
      %max3A_420 = arith.constant 1 : i32
      %max3A_421 = vector.broadcast %max3A_420 : i32 to vector<16xi32>
      %max3A_422 = arith.maxsi %get3A_419, %max3A_421 : vector<16xi32>
      %mul3A_423 = arith.constant 16 : i32
      %mul3A_424 = vector.broadcast %mul3A_423 : i32 to vector<16xi32>
      %mul3A_425 = arith.muli %max3A_422, %mul3A_424 : vector<16xi32>
      %add3A_426 = arith.addi %mul3A_425, %sub3A_40 : vector<16xi32>
      %get3A_427 = arith.constant 6 : i32
      %get3A_428 = arith.index_cast %get3A_427 : i32 to index
      %get3A_429 = arith.index_cast %mul3A_58 : i32 to index
      %get3A_430 = tpu.vector_load %arg8[%get3A_428, %get3A_429] {strides = array<i32>} : memref<12x512xf32, #tpu.memory_space<vmem>>, vector<16xf32>,
      %max3A_431 = arith.constant 0.000000e+00 : f32
      %max3A_432 = vector.broadcast %max3A_431 : f32 to vector<16xf32>
      %max3A_433 = arith.maximumf %get3A_430, %max3A_432 : vector<16xf32>
      %get3A_434 = arith.constant 7 : i32
      %get3A_435 = arith.index_cast %get3A_434 : i32 to index
      %get3A_436 = arith.index_cast %mul3A_58 : i32 to index
      %get3A_437 = tpu.vector_load %arg7[%get3A_435, %get3A_436] {strides = array<i32>} : memref<12x512xi32, #tpu.memory_space<vmem>>, vector<16xi32>,
      %max3A_438 = arith.constant 1 : i32
      %max3A_439 = vector.broadcast %max3A_438 : i32 to vector<16xi32>
      %max3A_440 = arith.maxsi %get3A_437, %max3A_439 : vector<16xi32>
      %mul3A_441 = arith.constant 16 : i32
      %mul3A_442 = vector.broadcast %mul3A_441 : i32 to vector<16xi32>
      %mul3A_443 = arith.muli %max3A_440, %mul3A_442 : vector<16xi32>
      %add3A_444 = arith.addi %mul3A_443, %sub3A_40 : vector<16xi32>
      %get3A_445 = arith.constant 7 : i32
      %get3A_446 = arith.index_cast %get3A_445 : i32 to index
      %get3A_447 = arith.index_cast %mul3A_58 : i32 to index
      %get3A_448 = tpu.vector_load %arg8[%get3A_446, %get3A_447] {strides = array<i32>} : memref<12x512xf32, #tpu.memory_space<vmem>>, vector<16xf32>,
      %max3A_449 = arith.constant 0.000000e+00 : f32
      %max3A_450 = vector.broadcast %max3A_449 : f32 to vector<16xf32>
      %max3A_451 = arith.maximumf %get3A_448, %max3A_450 : vector<16xf32>
      %get3A_452 = arith.constant 8 : i32
      %get3A_453 = arith.index_cast %get3A_452 : i32 to index
      %get3A_454 = arith.index_cast %mul3A_58 : i32 to index
      %get3A_455 = tpu.vector_load %arg7[%get3A_453, %get3A_454] {strides = array<i32>} : memref<12x512xi32, #tpu.memory_space<vmem>>, vector<16xi32>,
      %max3A_456 = arith.constant 1 : i32
      %max3A_457 = vector.broadcast %max3A_456 : i32 to vector<16xi32>
      %max3A_458 = arith.maxsi %get3A_455, %max3A_457 : vector<16xi32>
      %mul3A_459 = arith.constant 16 : i32
      %mul3A_460 = vector.broadcast %mul3A_459 : i32 to vector<16xi32>
      %mul3A_461 = arith.muli %max3A_458, %mul3A_460 : vector<16xi32>
      %add3A_462 = arith.addi %mul3A_461, %sub3A_40 : vector<16xi32>
      %get3A_463 = arith.constant 8 : i32
      %get3A_464 = arith.index_cast %get3A_463 : i32 to index
      %get3A_465 = arith.index_cast %mul3A_58 : i32 to index
      %get3A_466 = tpu.vector_load %arg8[%get3A_464, %get3A_465] {strides = array<i32>} : memref<12x512xf32, #tpu.memory_space<vmem>>, vector<16xf32>,
      %max3A_467 = arith.constant 0.000000e+00 : f32
      %max3A_468 = vector.broadcast %max3A_467 : f32 to vector<16xf32>
      %max3A_469 = arith.maximumf %get3A_466, %max3A_468 : vector<16xf32>
      %get3A_470 = arith.constant 9 : i32
      %get3A_471 = arith.index_cast %get3A_470 : i32 to index
      %get3A_472 = arith.index_cast %mul3A_58 : i32 to index
      %get3A_473 = tpu.vector_load %arg7[%get3A_471, %get3A_472] {strides = array<i32>} : memref<12x512xi32, #tpu.memory_space<vmem>>, vector<16xi32>,
      %max3A_474 = arith.constant 1 : i32
      %max3A_475 = vector.broadcast %max3A_474 : i32 to vector<16xi32>
      %max3A_476 = arith.maxsi %get3A_473, %max3A_475 : vector<16xi32>
      %mul3A_477 = arith.constant 16 : i32
      %mul3A_478 = vector.broadcast %mul3A_477 : i32 to vector<16xi32>
      %mul3A_479 = arith.muli %max3A_476, %mul3A_478 : vector<16xi32>
      %add3A_480 = arith.addi %mul3A_479, %sub3A_40 : vector<16xi32>
      %get3A_481 = arith.constant 9 : i32
      %get3A_482 = arith.index_cast %get3A_481 : i32 to index
      %get3A_483 = arith.index_cast %mul3A_58 : i32 to index
      %get3A_484 = tpu.vector_load %arg8[%get3A_482, %get3A_483] {strides = array<i32>} : memref<12x512xf32, #tpu.memory_space<vmem>>, vector<16xf32>,
      %max3A_485 = arith.constant 0.000000e+00 : f32
      %max3A_486 = vector.broadcast %max3A_485 : f32 to vector<16xf32>
      %max3A_487 = arith.maximumf %get3A_484, %max3A_486 : vector<16xf32>
      %get3A_488 = arith.constant 10 : i32
      %get3A_489 = arith.index_cast %get3A_488 : i32 to index
      %get3A_490 = arith.index_cast %mul3A_58 : i32 to index
      %get3A_491 = tpu.vector_load %arg7[%get3A_489, %get3A_490] {strides = array<i32>} : memref<12x512xi32, #tpu.memory_space<vmem>>, vector<16xi32>,
      %max3A_492 = arith.constant 1 : i32
      %max3A_493 = vector.broadcast %max3A_492 : i32 to vector<16xi32>
      %max3A_494 = arith.maxsi %get3A_491, %max3A_493 : vector<16xi32>
      %mul3A_495 = arith.constant 16 : i32
      %mul3A_496 = vector.broadcast %mul3A_495 : i32 to vector<16xi32>
      %mul3A_497 = arith.muli %max3A_494, %mul3A_496 : vector<16xi32>
      %add3A_498 = arith.addi %mul3A_497, %sub3A_40 : vector<16xi32>
      %get3A_499 = arith.constant 10 : i32
      %get3A_500 = arith.index_cast %get3A_499 : i32 to index
      %get3A_501 = arith.index_cast %mul3A_58 : i32 to index
      %get3A_502 = tpu.vector_load %arg8[%get3A_500, %get3A_501] {strides = array<i32>} : memref<12x512xf32, #tpu.memory_space<vmem>>, vector<16xf32>,
      %max3A_503 = arith.constant 0.000000e+00 : f32
      %max3A_504 = vector.broadcast %max3A_503 : f32 to vector<16xf32>
      %max3A_505 = arith.maximumf %get3A_502, %max3A_504 : vector<16xf32>
      %get3A_506 = arith.constant 11 : i32
      %get3A_507 = arith.index_cast %get3A_506 : i32 to index
      %get3A_508 = arith.index_cast %mul3A_58 : i32 to index
      %get3A_509 = tpu.vector_load %arg7[%get3A_507, %get3A_508] {strides = array<i32>} : memref<12x512xi32, #tpu.memory_space<vmem>>, vector<16xi32>,
      %max3A_510 = arith.constant 1 : i32
      %max3A_511 = vector.broadcast %max3A_510 : i32 to vector<16xi32>
      %max3A_512 = arith.maxsi %get3A_509, %max3A_511 : vector<16xi32>
      %mul3A_513 = arith.constant 16 : i32
      %mul3A_514 = vector.broadcast %mul3A_513 : i32 to vector<16xi32>
      %mul3A_515 = arith.muli %max3A_512, %mul3A_514 : vector<16xi32>
      %add3A_516 = arith.addi %mul3A_515, %sub3A_40 : vector<16xi32>
      %get3A_517 = arith.constant 11 : i32
      %get3A_518 = arith.index_cast %get3A_517 : i32 to index
      %get3A_519 = arith.index_cast %mul3A_58 : i32 to index
      %get3A_520 = tpu.vector_load %arg8[%get3A_518, %get3A_519] {strides = array<i32>} : memref<12x512xf32, #tpu.memory_space<vmem>>, vector<16xf32>,
      %max3A_521 = arith.constant 0.000000e+00 : f32
      %max3A_522 = vector.broadcast %max3A_521 : f32 to vector<16xf32>
      %max3A_523 = arith.maximumf %get3A_520, %max3A_522 : vector<16xf32>
      tpu.vector_store_idx %arg11[%add3A_318], %max3A_325 {add = true} : memref<1920xf32, #tpu.memory_space<vmem>>[vector<16xi32>], vector<16xf32>,
      tpu.vector_store_idx %arg11[%add3A_336], %max3A_343 {add = true} : memref<1920xf32, #tpu.memory_space<vmem>>[vector<16xi32>], vector<16xf32>,
      tpu.vector_store_idx %arg11[%add3A_354], %max3A_361 {add = true} : memref<1920xf32, #tpu.memory_space<vmem>>[vector<16xi32>], vector<16xf32>,
      tpu.vector_store_idx %arg11[%add3A_372], %max3A_379 {add = true} : memref<1920xf32, #tpu.memory_space<vmem>>[vector<16xi32>], vector<16xf32>,
      tpu.vector_store_idx %arg11[%add3A_390], %max3A_397 {add = true} : memref<1920xf32, #tpu.memory_space<vmem>>[vector<16xi32>], vector<16xf32>,
      tpu.vector_store_idx %arg11[%add3A_408], %max3A_415 {add = true} : memref<1920xf32, #tpu.memory_space<vmem>>[vector<16xi32>], vector<16xf32>,
      tpu.vector_store_idx %arg11[%add3A_426], %max3A_433 {add = true} : memref<1920xf32, #tpu.memory_space<vmem>>[vector<16xi32>], vector<16xf32>,
      tpu.vector_store_idx %arg11[%add3A_444], %max3A_451 {add = true} : memref<1920xf32, #tpu.memory_space<vmem>>[vector<16xi32>], vector<16xf32>,
      tpu.vector_store_idx %arg11[%add3A_462], %max3A_469 {add = true} : memref<1920xf32, #tpu.memory_space<vmem>>[vector<16xi32>], vector<16xf32>,
      tpu.vector_store_idx %arg11[%add3A_480], %max3A_487 {add = true} : memref<1920xf32, #tpu.memory_space<vmem>>[vector<16xi32>], vector<16xf32>,
      tpu.vector_store_idx %arg11[%add3A_498], %max3A_505 {add = true} : memref<1920xf32, #tpu.memory_space<vmem>>[vector<16xi32>], vector<16xf32>,
      tpu.vector_store_idx %arg11[%add3A_516], %max3A_523 {add = true} : memref<1920xf32, #tpu.memory_space<vmem>>[vector<16xi32>], vector<16xf32>,
      %gather3A_524 = tpu.vector_load_idx %arg12[%add3A_318] : memref<1920xf32, #tpu.memory_space<vmem>>[vector<16xi32>], vector<16xf32>,
      %mul3A_525 = arith.mulf %max3A_325, %gather3A_524 : vector<16xf32>
      %add3A_526 = arith.addf %broadcast_in_dim3A_18, %mul3A_525 : vector<16xf32>
      %gather3A_527 = tpu.vector_load_idx %arg12[%add3A_336] : memref<1920xf32, #tpu.memory_space<vmem>>[vector<16xi32>], vector<16xf32>,
      %mul3A_528 = arith.mulf %max3A_343, %gather3A_527 : vector<16xf32>
      %add3A_529 = arith.addf %broadcast_in_dim3A_18, %mul3A_528 : vector<16xf32>
      %gather3A_530 = tpu.vector_load_idx %arg11[%add3A_318] : memref<1920xf32, #tpu.memory_space<vmem>>[vector<16xi32>], vector<16xf32>,
      %mul3A_531 = arith.mulf %max3A_325, %gather3A_530 : vector<16xf32>
      %add3A_532 = arith.addf %broadcast_in_dim3A_18, %mul3A_531 : vector<16xf32>
      %gather3A_533 = tpu.vector_load_idx %arg11[%add3A_336] : memref<1920xf32, #tpu.memory_space<vmem>>[vector<16xi32>], vector<16xf32>,
      %mul3A_534 = arith.mulf %max3A_343, %gather3A_533 : vector<16xf32>
      %add3A_535 = arith.addf %broadcast_in_dim3A_18, %mul3A_534 : vector<16xf32>
      %gather3A_536 = tpu.vector_load_idx %arg12[%add3A_354] : memref<1920xf32, #tpu.memory_space<vmem>>[vector<16xi32>], vector<16xf32>,
      %mul3A_537 = arith.mulf %max3A_361, %gather3A_536 : vector<16xf32>
      %add3A_538 = arith.addf %add3A_526, %mul3A_537 : vector<16xf32>
      %gather3A_539 = tpu.vector_load_idx %arg12[%add3A_372] : memref<1920xf32, #tpu.memory_space<vmem>>[vector<16xi32>], vector<16xf32>,
      %mul3A_540 = arith.mulf %max3A_379, %gather3A_539 : vector<16xf32>
      %add3A_541 = arith.addf %add3A_529, %mul3A_540 : vector<16xf32>
      %gather3A_542 = tpu.vector_load_idx %arg11[%add3A_354] : memref<1920xf32, #tpu.memory_space<vmem>>[vector<16xi32>], vector<16xf32>,
      %mul3A_543 = arith.mulf %max3A_361, %gather3A_542 : vector<16xf32>
      %add3A_544 = arith.addf %add3A_532, %mul3A_543 : vector<16xf32>
      %gather3A_545 = tpu.vector_load_idx %arg11[%add3A_372] : memref<1920xf32, #tpu.memory_space<vmem>>[vector<16xi32>], vector<16xf32>,
      %mul3A_546 = arith.mulf %max3A_379, %gather3A_545 : vector<16xf32>
      %add3A_547 = arith.addf %add3A_535, %mul3A_546 : vector<16xf32>
      %gather3A_548 = tpu.vector_load_idx %arg12[%add3A_390] : memref<1920xf32, #tpu.memory_space<vmem>>[vector<16xi32>], vector<16xf32>,
      %mul3A_549 = arith.mulf %max3A_397, %gather3A_548 : vector<16xf32>
      %add3A_550 = arith.addf %add3A_538, %mul3A_549 : vector<16xf32>
      %gather3A_551 = tpu.vector_load_idx %arg12[%add3A_408] : memref<1920xf32, #tpu.memory_space<vmem>>[vector<16xi32>], vector<16xf32>,
      %mul3A_552 = arith.mulf %max3A_415, %gather3A_551 : vector<16xf32>
      %add3A_553 = arith.addf %add3A_541, %mul3A_552 : vector<16xf32>
      %gather3A_554 = tpu.vector_load_idx %arg11[%add3A_390] : memref<1920xf32, #tpu.memory_space<vmem>>[vector<16xi32>], vector<16xf32>,
      %mul3A_555 = arith.mulf %max3A_397, %gather3A_554 : vector<16xf32>
      %add3A_556 = arith.addf %add3A_544, %mul3A_555 : vector<16xf32>
      %gather3A_557 = tpu.vector_load_idx %arg11[%add3A_408] : memref<1920xf32, #tpu.memory_space<vmem>>[vector<16xi32>], vector<16xf32>,
      %mul3A_558 = arith.mulf %max3A_415, %gather3A_557 : vector<16xf32>
      %add3A_559 = arith.addf %add3A_547, %mul3A_558 : vector<16xf32>
      %gather3A_560 = tpu.vector_load_idx %arg12[%add3A_426] : memref<1920xf32, #tpu.memory_space<vmem>>[vector<16xi32>], vector<16xf32>,
      %mul3A_561 = arith.mulf %max3A_433, %gather3A_560 : vector<16xf32>
      %add3A_562 = arith.addf %add3A_550, %mul3A_561 : vector<16xf32>
      %gather3A_563 = tpu.vector_load_idx %arg12[%add3A_444] : memref<1920xf32, #tpu.memory_space<vmem>>[vector<16xi32>], vector<16xf32>,
      %mul3A_564 = arith.mulf %max3A_451, %gather3A_563 : vector<16xf32>
      %add3A_565 = arith.addf %add3A_553, %mul3A_564 : vector<16xf32>
      %gather3A_566 = tpu.vector_load_idx %arg11[%add3A_426] : memref<1920xf32, #tpu.memory_space<vmem>>[vector<16xi32>], vector<16xf32>,
      %mul3A_567 = arith.mulf %max3A_433, %gather3A_566 : vector<16xf32>
      %add3A_568 = arith.addf %add3A_556, %mul3A_567 : vector<16xf32>
      %gather3A_569 = tpu.vector_load_idx %arg11[%add3A_444] : memref<1920xf32, #tpu.memory_space<vmem>>[vector<16xi32>], vector<16xf32>,
      %mul3A_570 = arith.mulf %max3A_451, %gather3A_569 : vector<16xf32>
      %add3A_571 = arith.addf %add3A_559, %mul3A_570 : vector<16xf32>
      %gather3A_572 = tpu.vector_load_idx %arg12[%add3A_462] : memref<1920xf32, #tpu.memory_space<vmem>>[vector<16xi32>], vector<16xf32>,
      %mul3A_573 = arith.mulf %max3A_469, %gather3A_572 : vector<16xf32>
      %add3A_574 = arith.addf %add3A_562, %mul3A_573 : vector<16xf32>
      %gather3A_575 = tpu.vector_load_idx %arg12[%add3A_480] : memref<1920xf32, #tpu.memory_space<vmem>>[vector<16xi32>], vector<16xf32>,
      %mul3A_576 = arith.mulf %max3A_487, %gather3A_575 : vector<16xf32>
      %add3A_577 = arith.addf %add3A_565, %mul3A_576 : vector<16xf32>
      %gather3A_578 = tpu.vector_load_idx %arg11[%add3A_462] : memref<1920xf32, #tpu.memory_space<vmem>>[vector<16xi32>], vector<16xf32>,
      %mul3A_579 = arith.mulf %max3A_469, %gather3A_578 : vector<16xf32>
      %add3A_580 = arith.addf %add3A_568, %mul3A_579 : vector<16xf32>
      %gather3A_581 = tpu.vector_load_idx %arg11[%add3A_480] : memref<1920xf32, #tpu.memory_space<vmem>>[vector<16xi32>], vector<16xf32>,
      %mul3A_582 = arith.mulf %max3A_487, %gather3A_581 : vector<16xf32>
      %add3A_583 = arith.addf %add3A_571, %mul3A_582 : vector<16xf32>
      %gather3A_584 = tpu.vector_load_idx %arg12[%add3A_498] : memref<1920xf32, #tpu.memory_space<vmem>>[vector<16xi32>], vector<16xf32>,
      %mul3A_585 = arith.mulf %max3A_505, %gather3A_584 : vector<16xf32>
      %add3A_586 = arith.addf %add3A_574, %mul3A_585 : vector<16xf32>
      %gather3A_587 = tpu.vector_load_idx %arg12[%add3A_516] : memref<1920xf32, #tpu.memory_space<vmem>>[vector<16xi32>], vector<16xf32>,
      %mul3A_588 = arith.mulf %max3A_523, %gather3A_587 : vector<16xf32>
      %add3A_589 = arith.addf %add3A_577, %mul3A_588 : vector<16xf32>
      %gather3A_590 = tpu.vector_load_idx %arg11[%add3A_498] : memref<1920xf32, #tpu.memory_space<vmem>>[vector<16xi32>], vector<16xf32>,
      %mul3A_591 = arith.mulf %max3A_505, %gather3A_590 : vector<16xf32>
      %add3A_592 = arith.addf %add3A_580, %mul3A_591 : vector<16xf32>
      %gather3A_593 = tpu.vector_load_idx %arg11[%add3A_516] : memref<1920xf32, #tpu.memory_space<vmem>>[vector<16xi32>], vector<16xf32>,
      %mul3A_594 = arith.mulf %max3A_523, %gather3A_593 : vector<16xf32>
      %add3A_595 = arith.addf %add3A_583, %mul3A_594 : vector<16xf32>
      tpu.vector_store_idx %arg11[%add3A_318], %broadcast_in_dim3A_18 : memref<1920xf32, #tpu.memory_space<vmem>>[vector<16xi32>], vector<16xf32>,
      tpu.vector_store_idx %arg12[%add3A_67], %broadcast_in_dim3A_18 : memref<1920xf32, #tpu.memory_space<vmem>>[vector<16xi32>], vector<16xf32>,
      tpu.vector_store_idx %arg11[%add3A_336], %broadcast_in_dim3A_18 : memref<1920xf32, #tpu.memory_space<vmem>>[vector<16xi32>], vector<16xf32>,
      tpu.vector_store_idx %arg12[%add3A_85], %broadcast_in_dim3A_18 : memref<1920xf32, #tpu.memory_space<vmem>>[vector<16xi32>], vector<16xf32>,
      tpu.vector_store_idx %arg11[%add3A_354], %broadcast_in_dim3A_18 : memref<1920xf32, #tpu.memory_space<vmem>>[vector<16xi32>], vector<16xf32>,
      tpu.vector_store_idx %arg12[%add3A_103], %broadcast_in_dim3A_18 : memref<1920xf32, #tpu.memory_space<vmem>>[vector<16xi32>], vector<16xf32>,
      tpu.vector_store_idx %arg11[%add3A_372], %broadcast_in_dim3A_18 : memref<1920xf32, #tpu.memory_space<vmem>>[vector<16xi32>], vector<16xf32>,
      tpu.vector_store_idx %arg12[%add3A_121], %broadcast_in_dim3A_18 : memref<1920xf32, #tpu.memory_space<vmem>>[vector<16xi32>], vector<16xf32>,
      tpu.vector_store_idx %arg11[%add3A_390], %broadcast_in_dim3A_18 : memref<1920xf32, #tpu.memory_space<vmem>>[vector<16xi32>], vector<16xf32>,
      tpu.vector_store_idx %arg12[%add3A_139], %broadcast_in_dim3A_18 : memref<1920xf32, #tpu.memory_space<vmem>>[vector<16xi32>], vector<16xf32>,
      tpu.vector_store_idx %arg11[%add3A_408], %broadcast_in_dim3A_18 : memref<1920xf32, #tpu.memory_space<vmem>>[vector<16xi32>], vector<16xf32>,
      tpu.vector_store_idx %arg12[%add3A_157], %broadcast_in_dim3A_18 : memref<1920xf32, #tpu.memory_space<vmem>>[vector<16xi32>], vector<16xf32>,
      tpu.vector_store_idx %arg11[%add3A_426], %broadcast_in_dim3A_18 : memref<1920xf32, #tpu.memory_space<vmem>>[vector<16xi32>], vector<16xf32>,
      tpu.vector_store_idx %arg12[%add3A_175], %broadcast_in_dim3A_18 : memref<1920xf32, #tpu.memory_space<vmem>>[vector<16xi32>], vector<16xf32>,
      tpu.vector_store_idx %arg11[%add3A_444], %broadcast_in_dim3A_18 : memref<1920xf32, #tpu.memory_space<vmem>>[vector<16xi32>], vector<16xf32>,
      tpu.vector_store_idx %arg12[%add3A_193], %broadcast_in_dim3A_18 : memref<1920xf32, #tpu.memory_space<vmem>>[vector<16xi32>], vector<16xf32>,
      tpu.vector_store_idx %arg11[%add3A_462], %broadcast_in_dim3A_18 : memref<1920xf32, #tpu.memory_space<vmem>>[vector<16xi32>], vector<16xf32>,
      tpu.vector_store_idx %arg12[%add3A_211], %broadcast_in_dim3A_18 : memref<1920xf32, #tpu.memory_space<vmem>>[vector<16xi32>], vector<16xf32>,
      tpu.vector_store_idx %arg11[%add3A_480], %broadcast_in_dim3A_18 : memref<1920xf32, #tpu.memory_space<vmem>>[vector<16xi32>], vector<16xf32>,
      tpu.vector_store_idx %arg12[%add3A_229], %broadcast_in_dim3A_18 : memref<1920xf32, #tpu.memory_space<vmem>>[vector<16xi32>], vector<16xf32>,
      tpu.vector_store_idx %arg11[%add3A_498], %broadcast_in_dim3A_18 : memref<1920xf32, #tpu.memory_space<vmem>>[vector<16xi32>], vector<16xf32>,
      tpu.vector_store_idx %arg12[%add3A_247], %broadcast_in_dim3A_18 : memref<1920xf32, #tpu.memory_space<vmem>>[vector<16xi32>], vector<16xf32>,
      tpu.vector_store_idx %arg11[%add3A_516], %broadcast_in_dim3A_18 : memref<1920xf32, #tpu.memory_space<vmem>>[vector<16xi32>], vector<16xf32>,
      tpu.vector_store_idx %arg12[%add3A_265], %broadcast_in_dim3A_18 : memref<1920xf32, #tpu.memory_space<vmem>>[vector<16xi32>], vector<16xf32>,
      %add3A_596 = arith.addf %add3A_586, %add3A_589 : vector<16xf32>
      %add3A_597 = arith.addf %add3A_592, %add3A_595 : vector<16xf32>
      %add3A_598 = arith.addf %add3A_301, %add3A_304 : vector<16xf32>
      %add3A_599 = arith.addf %add3A_598, %add3A_307 : vector<16xf32>
      %max3A_600 = arith.constant 1.000000e-16 : f32
      %max3A_601 = vector.broadcast %max3A_600 : f32 to vector<16xf32>
      %max3A_602 = arith.maximumf %add3A_597, %max3A_601 : vector<16xf32>
      %bitcast_convert_type3A = tpu.bitcast %max3A_602 : vector<16xf32> -> vector<16xi32>
      %shift_right_logical3A = arith.constant 1 : i32
      %shift_right_logical3A_603 = vector.broadcast %shift_right_logical3A : i32 to vector<16xi32>
      %shift_right_logical3A_604 = arith.shrui %bitcast_convert_type3A, %shift_right_logical3A_603 : vector<16xi32>
      %sub3A_605 = arith.constant 1597463007 : i32
      %sub3A_606 = vector.broadcast %sub3A_605 : i32 to vector<16xi32>
      %sub3A_607 = arith.subi %sub3A_606, %shift_right_logical3A_604 : vector<16xi32>
      %bitcast_convert_type3A_608 = tpu.bitcast %sub3A_607 : vector<16xi32> -> vector<16xf32>
      %mul3A_609 = arith.constant 5.000000e-01 : f32
      %mul3A_610 = vector.broadcast %mul3A_609 : f32 to vector<16xf32>
      %mul3A_611 = arith.mulf %mul3A_610, %max3A_602 : vector<16xf32>
      %mul3A_612 = arith.mulf %mul3A_611, %bitcast_convert_type3A_608 : vector<16xf32>
      %mul3A_613 = arith.mulf %mul3A_612, %bitcast_convert_type3A_608 : vector<16xf32>
      %sub3A_614 = arith.constant 1.500000e+00 : f32
      %sub3A_615 = vector.broadcast %sub3A_614 : f32 to vector<16xf32>
      %sub3A_616 = arith.subf %sub3A_615, %mul3A_613 : vector<16xf32>
      %mul3A_617 = arith.mulf %bitcast_convert_type3A_608, %sub3A_616 : vector<16xf32>
      %mul3A_618 = arith.constant 5.000000e-01 : f32
      %mul3A_619 = vector.broadcast %mul3A_618 : f32 to vector<16xf32>
      %mul3A_620 = arith.mulf %mul3A_619, %max3A_602 : vector<16xf32>
      %mul3A_621 = arith.mulf %mul3A_620, %mul3A_617 : vector<16xf32>
      %mul3A_622 = arith.mulf %mul3A_621, %mul3A_617 : vector<16xf32>
      %sub3A_623 = arith.constant 1.500000e+00 : f32
      %sub3A_624 = vector.broadcast %sub3A_623 : f32 to vector<16xf32>
      %sub3A_625 = arith.subf %sub3A_624, %mul3A_622 : vector<16xf32>
      %mul3A_626 = arith.mulf %mul3A_617, %sub3A_625 : vector<16xf32>
      %mul3A_627 = arith.constant 5.000000e-01 : f32
      %mul3A_628 = vector.broadcast %mul3A_627 : f32 to vector<16xf32>
      %mul3A_629 = arith.mulf %mul3A_628, %max3A_602 : vector<16xf32>
      %mul3A_630 = arith.mulf %mul3A_629, %mul3A_626 : vector<16xf32>
      %mul3A_631 = arith.mulf %mul3A_630, %mul3A_626 : vector<16xf32>
      %sub3A_632 = arith.constant 1.500000e+00 : f32
      %sub3A_633 = vector.broadcast %sub3A_632 : f32 to vector<16xf32>
      %sub3A_634 = arith.subf %sub3A_633, %mul3A_631 : vector<16xf32>
      %mul3A_635 = arith.mulf %mul3A_626, %sub3A_634 : vector<16xf32>
      %max3A_636 = arith.constant 1.000000e-16 : f32
      %max3A_637 = vector.broadcast %max3A_636 : f32 to vector<16xf32>
      %max3A_638 = arith.maximumf %add3A_599, %max3A_637 : vector<16xf32>
      %bitcast_convert_type3A_639 = tpu.bitcast %max3A_638 : vector<16xf32> -> vector<16xi32>
      %shift_right_logical3A_640 = arith.constant 1 : i32
      %shift_right_logical3A_641 = vector.broadcast %shift_right_logical3A_640 : i32 to vector<16xi32>
      %shift_right_logical3A_642 = arith.shrui %bitcast_convert_type3A_639, %shift_right_logical3A_641 : vector<16xi32>
      %sub3A_643 = arith.constant 1597463007 : i32
      %sub3A_644 = vector.broadcast %sub3A_643 : i32 to vector<16xi32>
      %sub3A_645 = arith.subi %sub3A_644, %shift_right_logical3A_642 : vector<16xi32>
      %bitcast_convert_type3A_646 = tpu.bitcast %sub3A_645 : vector<16xi32> -> vector<16xf32>
      %mul3A_647 = arith.constant 5.000000e-01 : f32
      %mul3A_648 = vector.broadcast %mul3A_647 : f32 to vector<16xf32>
      %mul3A_649 = arith.mulf %mul3A_648, %max3A_638 : vector<16xf32>
      %mul3A_650 = arith.mulf %mul3A_649, %bitcast_convert_type3A_646 : vector<16xf32>
      %mul3A_651 = arith.mulf %mul3A_650, %bitcast_convert_type3A_646 : vector<16xf32>
      %sub3A_652 = arith.constant 1.500000e+00 : f32
      %sub3A_653 = vector.broadcast %sub3A_652 : f32 to vector<16xf32>
      %sub3A_654 = arith.subf %sub3A_653, %mul3A_651 : vector<16xf32>
      %mul3A_655 = arith.mulf %bitcast_convert_type3A_646, %sub3A_654 : vector<16xf32>
      %mul3A_656 = arith.constant 5.000000e-01 : f32
      %mul3A_657 = vector.broadcast %mul3A_656 : f32 to vector<16xf32>
      %mul3A_658 = arith.mulf %mul3A_657, %max3A_638 : vector<16xf32>
      %mul3A_659 = arith.mulf %mul3A_658, %mul3A_655 : vector<16xf32>
      %mul3A_660 = arith.mulf %mul3A_659, %mul3A_655 : vector<16xf32>
      %sub3A_661 = arith.constant 1.500000e+00 : f32
      %sub3A_662 = vector.broadcast %sub3A_661 : f32 to vector<16xf32>
      %sub3A_663 = arith.subf %sub3A_662, %mul3A_660 : vector<16xf32>
      %mul3A_664 = arith.mulf %mul3A_655, %sub3A_663 : vector<16xf32>
      %mul3A_665 = arith.constant 5.000000e-01 : f32
      %mul3A_666 = vector.broadcast %mul3A_665 : f32 to vector<16xf32>
      %mul3A_667 = arith.mulf %mul3A_666, %max3A_638 : vector<16xf32>
      %mul3A_668 = arith.mulf %mul3A_667, %mul3A_664 : vector<16xf32>
      %mul3A_669 = arith.mulf %mul3A_668, %mul3A_664 : vector<16xf32>
      %sub3A_670 = arith.constant 1.500000e+00 : f32
      %sub3A_671 = vector.broadcast %sub3A_670 : f32 to vector<16xf32>
      %sub3A_672 = arith.subf %sub3A_671, %mul3A_669 : vector<16xf32>
      %mul3A_673 = arith.mulf %mul3A_664, %sub3A_672 : vector<16xf32>
      %mul3A_674 = arith.mulf %add3A_596, %mul3A_635 : vector<16xf32>
      %mul3A_675 = arith.mulf %mul3A_674, %mul3A_673 : vector<16xf32>
      %add3A_676 = arith.addf %add3A_597, %add3A_599 : vector<16xf32>
      %mul3A_677 = arith.constant 2.000000e+00 : f32
      %mul3A_678 = vector.broadcast %mul3A_677 : f32 to vector<16xf32>
      %mul3A_679 = arith.mulf %mul3A_678, %add3A_596 : vector<16xf32>
      %sub3A_680 = arith.subf %add3A_676, %mul3A_679 : vector<16xf32>
      %add3A_681 = arith.addf %scan3A_55, %mul3A_675 : vector<16xf32>
      %add3A_682 = arith.addf %scan3A_56, %sub3A_680 : vector<16xf32>
      scf.yield %add3A_681, %add3A_682 : vector<16xf32>, vector<16xf32>
    }
    %scan3A_46 = arith.constant 32 : i32
    %swap3A = arith.constant 0 : i32
    %swap3A_47 = arith.index_cast %swap3A : i32 to index
    %swap3A_48 = arith.constant 0 : index
    %swap3A_49 = tpu.vector_load %arg13[%swap3A_47, %swap3A_48] {strides = array<i32>} : memref<2x16xf32, #tpu.memory_space<vmem>>, vector<16xf32>,
    tpu.vector_store %arg13[%swap3A_47, %swap3A_48], %scan3A_45#0 {strides = array<i32>} : memref<2x16xf32, #tpu.memory_space<vmem>>, vector<16xf32>,
    %swap3A_50 = arith.constant 1 : i32
    %swap3A_51 = arith.index_cast %swap3A_50 : i32 to index
    %swap3A_52 = arith.constant 0 : index
    %swap3A_53 = tpu.vector_load %arg13[%swap3A_51, %swap3A_52] {strides = array<i32>} : memref<2x16xf32, #tpu.memory_space<vmem>>, vector<16xf32>,
    tpu.vector_store %arg13[%swap3A_51, %swap3A_52], %scan3A_45#1 {strides = array<i32>} : memref<2x16xf32, #tpu.memory_space<vmem>>, vector<16xf32>,
    "tpu.region"() ({
      %run_scoped3A = tpu.sem_alloc : memref<!tpu.dma_semaphore, #tpu.memory_space<semaphore_mem>>
      %dma_start3A_54 = arith.constant 0 : i32
      %dma_start3A_55 = arith.constant 0 : i32
      %dma_start3A_56 = tpu.memref_slice %arg6[%add3A, %dma_start3A_54, %dma_start3A_55] : memref<32x2x16xf32, #tpu.memory_space<hbm>> -> memref<1x2x16xf32, #tpu.memory_space<hbm>>
      %dma_start3A_57 = tpu.memref_squeeze %dma_start3A_56 : memref<1x2x16xf32, #tpu.memory_space<hbm>> -> memref<2x16xf32, #tpu.memory_space<hbm>>
      %dma_start3A_58 = arith.constant 0 : i32
      %dma_start3A_59 = arith.constant 0 : i32
      %dma_start3A_60 = tpu.memref_slice %arg6[%add3A, %dma_start3A_58, %dma_start3A_59] : memref<32x2x16xf32, #tpu.memory_space<hbm>> -> memref<1x2x16xf32, #tpu.memory_space<hbm>>
      %dma_start3A_61 = tpu.memref_squeeze %dma_start3A_60 : memref<1x2x16xf32, #tpu.memory_space<hbm>> -> memref<2x16xf32, #tpu.memory_space<hbm>>
      tpu.enqueue_dma source(%arg13 : memref<2x16xf32, #tpu.memory_space<vmem>>) target(%dma_start3A_61 : memref<2x16xf32, #tpu.memory_space<hbm>>) target_semaphore(%run_scoped3A : memref<!tpu.dma_semaphore, #tpu.memory_space<semaphore_mem>>)
      %dma_wait3A_62 = arith.constant 0 : i32
      %dma_wait3A_63 = arith.constant 0 : i32
      %dma_wait3A_64 = tpu.memref_slice %arg6[%add3A, %dma_wait3A_62, %dma_wait3A_63] : memref<32x2x16xf32, #tpu.memory_space<hbm>> -> memref<1x2x16xf32, #tpu.memory_space<hbm>>
      %dma_wait3A_65 = tpu.memref_squeeze %dma_wait3A_64 : memref<1x2x16xf32, #tpu.memory_space<hbm>> -> memref<2x16xf32, #tpu.memory_space<hbm>>
      %dma_wait3A_66 = arith.constant 0 : i32
      %dma_wait3A_67 = arith.constant 0 : i32
      %dma_wait3A_68 = tpu.memref_slice %arg6[%add3A, %dma_wait3A_66, %dma_wait3A_67] : memref<32x2x16xf32, #tpu.memory_space<hbm>> -> memref<1x2x16xf32, #tpu.memory_space<hbm>>
      %dma_wait3A_69 = tpu.memref_squeeze %dma_wait3A_68 : memref<1x2x16xf32, #tpu.memory_space<hbm>> -> memref<2x16xf32, #tpu.memory_space<hbm>>
      tpu.wait_dma2 semaphore(%run_scoped3A : memref<!tpu.dma_semaphore, #tpu.memory_space<semaphore_mem>>) src(%arg13 : memref<2x16xf32, #tpu.memory_space<vmem>>) dst(%dma_wait3A_69 : memref<2x16xf32, #tpu.memory_space<hbm>>)
      tpu.yield
    }) : () -> ()
    return
  }
}

</mosaic_0001>

<sc_bundles>
// kernel: composition_vector_loss_sc.3.cloned.1.call-start
scs
__scs_entry_jumppad:
0x0: {  	(pc) =	sbr.rel $0x88, $3  }
0x1: {  	(tag) =	ssettag $0x0;
	lr =	simm.s32 $0x1  }
0x2: {  	[smem:$0x3F9B] =	sst lr;
	_ =	strace $0xD0000000  }
0x3: {  	_ = 	snop  }
0x4: {  	_ = 	snop  }
0x5: {  	_ = 	snop  }
0x6: {  	_ = 	snop  }
0x7: {  	_ = 	snop  }
__scs_overlays_trampoline_lowered:
0x8: {  	[smem:$0x3FAA] =	sst s0  }
0x9: {  	[smem:$0x3FAB] =	sst s1  }
0xa: {  	[smem:$0x3FAC] =	sst s2  }
0xb: {  	[smem:$0x3FAD] =	sst s3  }
0xc: {  	[smem:$0x3FAE] =	sst s4  }
0xd: {  	[smem:$0x3FAF] =	sst s5  }
0xe: {  	[smem:$0x3FB0] =	sst s6  }
0xf: {  	[smem:$0x3FB1] =	sst s7  }
0x10: {  	[smem:$0x3FB2] =	sst s8  }
0x11: {  	[smem:$0x3FB3] =	sst s9;
	s0 =	simm.s32 @!p0 $0x0  }
0x12: {  	s1 =	sld [smem:$0x3F99];
	s0 =	simm.s32 @p0 $0x1  }
0x13: {  	[smem:$0x3FB4] =	sst s0;
	s0 =	simm.s32 @!p1 $0x0  }
0x14: {  	s2 =	sld [smem:$0x3F98];
	s0 =	simm.s32 @p1 $0x1  }
0x15: {  	[smem:$0x3FB5] =	sst s0;
	s0 =	simm.s32 @!p2 $0x0  }
0x16: {  	s3 =	sld [smem:$0x3FDB];
	s0 =	simm.s32 @p2 $0x1  }
0x17: {  	s4 =	simm.s32 $0x1BF5;
	[smem:$0x3FB7] =	sst s0  }
0x18: {  	s0 =	sld [smem:$0x3F9A];
	_ =	swait.ge [sflag:s4], $0x0  }
0x19: {  	s7 =	sld [smem:$0x3F9B]  }
0x1a: {  	s8 =	sadd.s32 $0xFFFFE003, lr  }
0x1b: {  	s9 =	sadd.s32 $0xFFFFFEF7, lr;
	s5 =	simm.s32 $0xFFFFFFFF;
	p2 =	slt.u32 s8, $0xFFFFF086  }
0x1c: {  	p1 =	slt.u32 s9, $0xF7A;
	s5 =	simm.s32 @!p2 $0x0  }
0x1d: {  	s5 =	simm.s32 @p1 $0x1;
	p0 =	seq.s32 s7, s2  }
0x1e: {  	s7 =	smul.u32 @!p0 $0xF7A, s2;
	p2 =	seq.s32 @!p0 s5, $0x0  }
0x1f: {  	s9 =	smul.u32 $0xF7A, s1;
	s8 =	simm.s32 @!p0 $0x1BF5;
	p2 =	por !p2, p0  }
0x20: {  	[sflag:s8] =	ssyncset.s32 @!p0 $0xFFFFF086;
	s6 =	sadd.s32 @!p0 s3, s7;
	s7 =	simm.s32 @!p0 $0x108  }
0x21: {  	s3 =	sadd.s32 s3, s9;
	s6 =	sadd.s32 @!p0 $0x88, s6;
	s7 =	simm.s32 @p2 $0x1082  }
0x22: {  	[simem:s7], [sflag:s8] =	dma.local @!p0 [hbm:s6], $0xF7A  }
0x23: {  	s9 =	sor.u32 $0xD0000000, s2;
	s6 =	simm.s32 $0x108;
	_ =	swait.ge @!p0 [sflag:s8], $0x0  }
0x24: {  	s3 =	sadd.s32 $0x88, s3;
	s6 =	simm.s32 @!p1 $0x1082;
	[sflag:s4] =	ssyncset.s32 $0xFFFFF086  }
0x25: {  	[simem:s6], [sflag:s4] =	dma.local [hbm:s3], $0xF7A  }
0x26: {  	[smem:$0x3F9B] =	sst s1;
	(tag) =	ssettag s2;
	_ =	strace s9  }
0x27: {  	s1 =	sld [smem:$0x3FAB]  }
0x28: {  	s2 =	sld [smem:$0x3FAC]  }
0x29: {  	s4 =	sld [smem:$0x3FAE]  }
0x2a: {  	p0 =	seq.s32 s5, $0x0;
	s5 =	sld [smem:$0x3FAF]  }
0x2b: {  	s6 =	sld [smem:$0x3FB0]  }
0x2c: {  	s7 =	sld [smem:$0x3FB1]  }
0x2d: {  	s3 =	simm.s32 $0x108;
	s8 =	sld [smem:$0x3FB2]  }
0x2e: {  	s3 =	simm.s32 @!p0 $0x1082;
	s9 =	sld [smem:$0x3FB3]  }
0x2f: {  	lr =	sadd.s32 s0, s3;
	s0 =	sld [smem:$0x3FAA]  }
0x30: {  	s3 =	sld [smem:$0x3FAD]  }
0x31: {  	[smem:$0x3FB6] =	sst s10  }
0x32: {  	s10 =	sld [smem:$0x3FB4];
	_ =	sdelay $0x3  }
0x33: {  	p0 =	seq.s32 s10, $0x1;
	s10 =	sld [smem:$0x3FB6];
	_ =	sdelay $0x3  }
0x34: {  	[smem:$0x3FB6] =	sst s10  }
0x35: {  	s10 =	sld [smem:$0x3FB5];
	_ =	sdelay $0x3  }
0x36: {  	p1 =	seq.s32 s10, $0x1;
	s10 =	sld [smem:$0x3FB6];
	_ =	sdelay $0x3  }
0x37: {  	[smem:$0x3FB6] =	sst s10  }
0x38: {  	s10 =	sld [smem:$0x3FB7]  }
0x39: {  	_ = 	snop;
	(pc) =	sbr.ind lr, $3  }
0x3a: {  	_ = 	snop  }
0x3b: {  	_ = 	snop  }
0x3c: {  	p2 =	seq.s32 s10, $0x1;
	s10 =	sld [smem:$0x3FB6]  }
0x3d: {  	_ =	shalt  }
0x3e: {  	_ =	shalt  }
0x3f: {  	_ =	shalt  }
0x40: {  	_ =	shalt  }
0x41: {  	_ =	shalt  }
0x42: {  	_ =	shalt  }
0x43: {  	_ =	shalt  }
0x44: {  	_ =	shalt  }
0x45: {  	_ =	shalt  }
0x46: {  	_ =	shalt  }
0x47: {  	_ =	shalt  }
0x48: {  	_ =	shalt  }
0x49: {  	_ =	shalt  }
0x4a: {  	_ =	shalt  }
0x4b: {  	_ =	shalt  }
0x4c: {  	_ =	shalt  }
0x4d: {  	_ =	shalt  }
0x4e: {  	_ =	shalt  }
0x4f: {  	_ =	shalt  }
0x50: {  	_ =	shalt  }
0x51: {  	_ =	shalt  }
0x52: {  	_ =	shalt  }
0x53: {  	_ =	shalt  }
0x54: {  	_ =	shalt  }
0x55: {  	_ =	shalt  }
0x56: {  	_ =	shalt  }
0x57: {  	_ =	shalt  }
0x58: {  	_ =	shalt  }
0x59: {  	_ =	shalt  }
0x5a: {  	_ =	shalt  }
0x5b: {  	_ =	shalt  }
0x5c: {  	_ =	shalt  }
0x5d: {  	_ =	shalt  }
0x5e: {  	_ =	shalt  }
0x5f: {  	_ =	shalt  }
0x60: {  	_ =	shalt  }
0x61: {  	_ =	shalt  }
0x62: {  	_ =	shalt  }
0x63: {  	_ =	shalt  }
0x64: {  	_ =	shalt  }
0x65: {  	_ =	shalt  }
0x66: {  	_ =	shalt  }
0x67: {  	_ =	shalt  }
0x68: {  	_ =	shalt  }
0x69: {  	_ =	shalt  }
0x6a: {  	_ =	shalt  }
0x6b: {  	_ =	shalt  }
0x6c: {  	_ =	shalt  }
0x6d: {  	_ =	shalt  }
0x6e: {  	_ =	shalt  }
0x6f: {  	_ =	shalt  }
0x70: {  	_ =	shalt  }
0x71: {  	_ =	shalt  }
0x72: {  	_ =	shalt  }
0x73: {  	_ =	shalt  }
0x74: {  	_ =	shalt  }
0x75: {  	_ =	shalt  }
0x76: {  	_ =	shalt  }
0x77: {  	_ =	shalt  }
0x78: {  	_ =	shalt  }
0x79: {  	_ =	shalt  }
0x7a: {  	_ =	shalt  }
0x7b: {  	_ =	shalt  }
0x7c: {  	_ =	shalt  }
0x7d: {  	_ =	shalt  }
0x7e: {  	_ =	shalt  }
0x7f: {  	_ =	shalt  }
0x80: {  	_ =	shalt  }
0x81: {  	_ =	shalt  }
0x82: {  	_ =	shalt  }
0x83: {  	_ =	shalt  }
0x84: {  	_ =	shalt  }
0x85: {  	_ =	shalt  }
0x86: {  	_ =	shalt  }
0x87: {  	_ =	shalt  }
.Lfunc_end0:
.L_simem_size_0:
called_computation_lowered:
.L_overlay_start_0:
0x88: {  	s2 =	sld [smem:$0x3FD9]  }
0x89: {  	s3 =	sld [smem:$0x3FFE];
	_ =	sdelay $0x1  }
0x8a: {  	s1 =	srdreg.scid  }
0x8b: {  	s0 =	sand.u32 $0x1, s1  }
0x8c: {  	s17 =	sshll.u32 s0, $0xA;
	s2 =	sadd.s32 s3, s2  }
0x8d: {  	s2 =	sadd.s32 s2, s17  }
0x8e: {  	[smem:$0x3FC2] =	sst s2  }
0x8f: {  	_ = 	snop  }
0x90: {  	s2 =	sld [smem:$0x3FC9]  }
0x91: {  	s18 =	sld [smem:$0x3FC6];
	(tm) =	ssettm $0x1  }
0x92: {  	s4 =	sld [smem:$0x3FFB];
	_ =	sdelay $0x3  }
0x93: {  	_ =	strace s4  }
0x94: {  	s4 =	sld [smem:$0x3FFC];
	_ =	sdelay $0x3  }
0x95: {  	_ =	strace s4  }
0x96: {  	s4 =	sld [smem:$0x3FFD];
	_ =	sdelay $0x3  }
0x97: {  	_ =	strace s4  }
0x98: {  	_ =	strace $0x8FFFFFFF  }
0x99: {  	s19 =	sld [smem:$0x3FDB];
	_ =	sdelay $0x1  }
0x9a: {  	s5 =	simm.s32 $_scs_section_size  }
0x9b: {  	s6 =	simm.s32 $_size__tile_overlayer_lowered;
	s7 =	simm.s32 $_tile_overlayer_lowered  }
0x9c: {  	s22 =	simm.s32 $0x1BFF;
	s21 =	sshll.u32 s7, $0x1;
	s4 =	sadd.s32 s5, s19  }
0x9d: {  	s8 =	simm.s32 $0x0;
	s20 =	sshll.u32 s6, $0x1;
	s6 =	sadd.s32 s21, s4  }
0x9e: {  	[timem:s8], [sflag:s22] =	dma.local [hbm:s6], s20  }
0x9f: {  	_ =	swait.ge [sflag:s22], s20  }
0xa0: {  	s5 =	ssub.s32 $0x0, s20;
	[sflag:s22] =	ssyncset.done $0x0  }
0xa1: {  	[sflag:s22] =	ssyncadd.s32 s5;
	_ =	sdelay $0x1  }
0xa2: {  	s23 =	simm.s32 $0x1B8B  }
0xa3: {  	_ =	swait.ge [sflag:s23], $0x1  }
0xa4: {  	[sflag:s23] =	ssyncset.done $0x0  }
0xa5: {  	s25 =	simm.s32 $0x1B8E;
	s24 =	sld [smem:$0x3FFE];
	[sflag:s23] =	ssyncadd.s32 $0xFFFFFFFF  }
0xa6: {  	s26 =	simm.s32 $execute0_lowered;
	[smem:$0x3FD2] =	sst s25  }
0xa7: {  	s6 =	sshll.u32 s26, $0x1;
	_ =	strace $0x80000046;
	[dreg:$0x1] =	wrdreg $0xFFFFFFFF  }
0xa8: {  	s28 =	simm.s32 $_size_execute0_lowered;
	s4 =	sadd.s32 s4, s6;
	[dreg:$0x0] =	wrdreg $0x0  }
0xa9: {  	s6 =	sshll.u32 s28, $0x1;
	[dreg:$0x2] =	wrdreg s4  }
0xaa: {  	[dreg:$0x3] =	wrdreg s6  }
0xab: {  	[dreg:$0x4] =	wrdreg $0xC0  }
0xac: {  	_ =	task [dreg:s8], $0x5FFFF  }
0xad: {  	[dreg:$0x1] =	wrdreg $0xFFFFFFFF  }
0xae: {  	[dreg:$0x0] =	wrdreg $0x60  }
0xaf: {  	[dreg:$0x2] =	wrdreg s2  }
0xb0: {  	[dreg:$0x3] =	wrdreg s24  }
0xb1: {  	[dreg:$0x4] =	wrdreg s18  }
0xb2: {  	[dreg:$0x5] =	wrdreg $0x9  }
0xb3: {  	_ =	task.clear_ibuf [dreg:s8], $0x6FFFF;
	_ =	strace $0x90000046  }
0xb4: {  	s29 =	simm.s32 $0x9;
	_ =	strace $0x80000048  }
0xb5: {  	_ =	swait.ge [sflag:s29], $0x1  }
0xb6: {  	[sflag:s29] =	ssyncadd.s32 $0xFFFFFFFF  }
0xb7: {  	_ =	strace $0x90000048  }
0xb8: {  	_ =	sfence  }
0xb9: {  	s30 =	sld [smem:$0x0];
	_ =	sdelay $0x2  }
0xba: {  	s31 =	sshll.u32 s1, $0xD;
	s1 =	sshrl.u32 s1, $0x2  }
0xbb: {  	s3 =	sand.u32 $0x4000, s31;
	s1 =	sadd.s32 s1, s30  }
0xbc: {  	s0 =	sor.u32 s3, s0;
	s1 =	sshll.u32 s1, $0x11  }
0xbd: {  	s0 =	sor.u32 s1, s0  }
0xbe: {  	s0 =	sadd.s32 $0x8F2B, s0  }
0xbf: {  	[sflag:s0] =	ssyncadd.remote.s32 $0x1  }
0xc0: {  	_ =	sfence.sel $0xFFFF  }
0xc1: {  	[dreg:$0x0] =	wrdreg $0xFFFFFFFF;
	(pc) =	sbr.abs _section_cstart, $3  }
0xc2: {  	[dreg:$0x1] =	wrdreg $0xFFFFFFFF  }
0xc3: {  	_ =	task.clear_ibuf [dreg:s8], $0x2FFFF;
	_ =	strace $0x9FFFFFFF  }
0xc4: {  	(tm) =	ssettm $0x7FFFFFFF  }
0xc5: {  	_ =	shalt  }
tec
execute0_lowered:
.L_overlay_start_1:
0x0: {  	(tag) =	ssettag $0x1  }
0x1: {  	s3 =	rddreg [dreg:$0x0]  }
0x2: {  	s4 =	rddreg [dreg:$0x1]  }
0x3: {  	s5 =	rddreg [dreg:$0x2]  }
0x4: {  	s0 =	rddreg [dreg:$0x3];
	s6 =	srdreg.scid  }
0x5: {  	s1 =	stileid.u32;
	s2 =	simm.s32 $0x0;
	s10 =	simm.s32 $0x20000  }
0x6: {  	s11 =	simm.s32 $0x2000;
	s12 =	simm.s32 $0x4000;
	s13 =	simm.s32 $0x6000  }
0x7: {  	s14 =	simm.s32 $0x1;
	s15 =	simm.s32 $0x8780;
	s16 =	simm.s32 $0x8000  }
0x8: {  	s17 =	simm.s32 $0x8F00;
	s18 =	simm.s32 $0x2;
	s19 =	simm.s32 $0x0  }
0x9: {  	s6 =	sand.u32 $0x1, s6;
	s7 =	sshll.u32 s1, $0x1;
	[smem:$0x7FF] =	sst s2  }
0xa: {  	s7 =	sor.u32 s6, s7;
	_ =	strace $0x80000047;
	s6 =	ssub.s32 $0x2, s6  }
0xb: {  	s8 =	sshll.u32 s7, $0x5;
	s9 =	sshrl.u32 s6, $0x1;
	s7 =	sshll.u32 s7, $0x9  }
0xc: {  	s8 =	sadd.s32 s8, s4;
	s9 =	ssub.s32 s6, s9;
	s4 =	sadd.s32 s4, s7  }
0xd: {  	v1 =	vlaneseq.u32;
	s3 =	sadd.s32 s3, s7;
	s5 =	sadd.s32 s5, s7;
	s6 =	sadd.s32 $0x8000, s4  }
0xe: {  	v0 =	vimm.f32 $0.0e+00;
	v1 =	vor.u32 $0xFFFFFFF0, v1;
	s7 =	sadd.s32 $0x10000, s8;
	s8 =	smax.u32 s9, $0x1;
	s9 =	simm.s32 $0x1000  }
.LBB2_1:
0xf: {  	[tilespmem:s2], [sflag:$0x1] =	stream.strided.gather [hbm4b:s3+s9], $0x2000, s10, s9, $0x38;
	[tilespmem:$0x9000] =	vst v63  }
0x10: {  	_ = 	snop  }
0x11: {  	[tilespmem:s11], [sflag:$0x1] =	stream.strided.gather [hbm4b:s4+s9], $0x2000, s10, s9, $0x38;
	[tilespmem:$0x9000] =	vst v63  }
0x12: {  	_ = 	snop  }
0x13: {  	[tilespmem:s12], [sflag:$0x1] =	stream.strided.gather [hbm4b:s5+s9], $0x2000, s10, s9, $0x38;
	[tilespmem:$0x9000] =	vst v63  }
0x14: {  	s20 =	simm.s32 $0x40;
	s21 =	simm.s32 $0x0  }
0x15: {  	[tilespmem:s13], [sflag:$0x1] =	stream.strided.gather [hbm4b:s6+s9], $0x2000, s10, s9, $0x38;
	[tilespmem:$0x9000] =	vst v63  }
.LBB2_2:
0x16: {  	p0 =	sne.s32 s20, $0x1DC0;
	[tilespmem:s21+$0x8000] =	vst v0;
	s22 =	smov.u32 s20;
	s20 =	sadd.s32 $0x40, s20  }
.Ltmp0:
0x17: {  	[tilespmem:s21+$0x8780] =	vst v0;
	(pc) =	sbr.rel @p0 .LBB2_2-.Ltmp0, $2  }
0x18: {  	_ =	sdelay $0x2  }
0x19: {  	s21 =	sshra.s32 s22, $0x2  }
0x1a: {  	[tilespmem:s21+$0x8000] =	vst v0  }
0x1b: {  	[tilespmem:s21+$0x8780] =	vst v0  }
0x1c: {  	_ =	swait.ge [sflag:s14], $0x2000  }
0x1d: {  	[sflag:s14] =	ssyncset.done $0x0  }
0x1e: {  	[sflag:s14] =	ssyncadd.s32 $0xFFFFE000  }
0x1f: {  	_ =	swait.ge [sflag:s14], $0x2000  }
0x20: {  	[sflag:s14] =	ssyncset.done $0x0  }
0x21: {  	[sflag:s14] =	ssyncadd.s32 $0xFFFFE000  }
0x22: {  	_ =	swait.ge [sflag:s14], $0x2000  }
0x23: {  	[sflag:s14] =	ssyncset.done $0x0  }
0x24: {  	[sflag:s14] =	ssyncadd.s32 $0xFFFFE000  }
0x25: {  	_ =	swait.ge [sflag:s14], $0x2000  }
0x26: {  	[sflag:s14] =	ssyncset.done $0x0  }
0x27: {  	v49 =	vimm.f32 $0.0e+00;
	s20 =	simm.s32 $0x0;
	s21 =	simm.s32 $0x0;
	v3 =	vimm.f32 $0.0e+00;
	[sflag:s14] =	ssyncadd.s32 $0xFFFFE000  }
.LBB2_4:
0x28: {  	s22 =	sand.u32 $0x70, s21;
	s23 =	sand.u32 $0xC00, s20  }
0x29: {  	s22 =	sor.u32 s22, s23  }
0x2a: {  	v4 =	vld [tilespmem:s22+$0x4000]  }
0x2b: {  	v5 =	vld [tilespmem:s22+$0x6000]  }
0x2c: {  	v6 =	vld [tilespmem:s22+$0x4080]  }
0x2d: {  	v8 =	vld [tilespmem:s22+$0x6080]  }
0x2e: {  	v9 =	vld [tilespmem:s22+$0x4100]  }
0x2f: {  	v10 =	vld [tilespmem:s22+$0x6100]  }
0x30: {  	v13 =	vld [tilespmem:s22+$0x4200]  }
0x31: {  	v14 =	vld [tilespmem:s22+$0x6200]  }
0x32: {  	v15 =	vld [tilespmem:s22+$0x4280]  }
0x33: {  	s31 =	sor.u32 s20, s21;
	v19 =	vld [tilespmem:s22+$0x6280]  }
0x34: {  	s23 =	sor.u32 $0x380, s31;
	v20 =	vld [tilespmem:s22+$0x4300]  }
0x35: {  	v23 =	vld [tilespmem:s23+$0x4000]  }
0x36: {  	v57 =	vld [tilespmem:s22+$0x5000]  }
0x37: {  	s30 =	sand.u32 $0xFFFFFC00, s20;
	v59 =	vld [tilespmem:s22+$0x5080]  }
0x38: {  	s24 =	sadd.s32 s30, s21;
	v61 =	vld [tilespmem:s22+$0x5100]  }
0x39: {  	s25 =	sor.u32 $0x180, s24;
	vm0 =	vgt.s32 v4, $0x1;
	vm5 =	vgt.s32 v6, $0x1;
	vm6 =	vgt.s32 v9, $0x1  }
0x3a: {  	v11 =	vld [tilespmem:s25+$0x4000];
	v16 =	vmax.f32 v5, $0.0e+00;
	v18 =	vmax.f32 v8, $0.0e+00;
	v17 =	vmax.f32 v10, $0.0e+00  }
0x3b: {  	vm8 =	vgt.s32 v13, $0x1;
	vm9 =	vgt.s32 v15, $0x1;
	v31 =	vmax.f32 v14, $0.0e+00  }
0x3c: {  	vm10 =	vgt.s32 v20, $0x1;
	v21 =	vmax.f32 v19, $0.0e+00;
	vm11 =	vgt.s32 v23, $0x1  }
0x3d: {  	v12 =	vld [tilespmem:s25+$0x6000];
	vm12 =	vgt.s32 v57, $0x1;
	vm13 =	vgt.s32 v59, $0x1;
	vm14 =	vgt.s32 v61, $0x1  }
0x3e: {  	v22 =	vld [tilespmem:s22+$0x6300];
	v4 =	vnsel vm0, $0x1, v4;
	v6 =	vnsel vm5, $0x1, v6;
	v9 =	vnsel vm6, $0x1, v9  }
0x3f: {  	v24 =	vld [tilespmem:s23+$0x6000];
	vm7 =	vgt.s32 v11, $0x1;
	v58 =	vnsel vm8, $0x1, v13;
	v4 =	vshll.u32 v4, $0x4  }
0x40: {  	v25 =	vld [tilespmem:s22+$0x7000];
	v60 =	vnsel vm9, $0x1, v15;
	v7 =	vadd.s32 v1, v4;
	v4 =	vshll.u32 v6, $0x4  }
0x41: {  	v26 =	vld [tilespmem:s22+$0x7080];
	v5 =	vnsel vm7, $0x1, v11;
	v6 =	vadd.s32 v1, v4;
	v4 =	vshll.u32 v9, $0x4  }
0x42: {  	v27 =	vld [tilespmem:s22+$0x7100];
	s24 =	sor.u32 $0x1180, s24;
	v30 =	vmax.f32 v12, $0.0e+00;
	v5 =	vshll.u32 v5, $0x4;
	v4 =	vadd.s32 v1, v4  }
0x43: {  	v63 =	vld [tilespmem:s24+$0x4000];
	v62 =	vnsel vm10, $0x1, v20;
	v10 =	vadd.s32 v1, v5;
	v5 =	vshll.u32 v58, $0x4  }
0x44: {  	v29 =	vld [tilespmem:s24+$0x6000];
	v28 =	vnsel vm11, $0x1, v23;
	v8 =	vadd.s32 v1, v5;
	v5 =	vshll.u32 v60, $0x4  }
0x45: {  	v13 =	vnsel vm13, $0x1, v59;
	v11 =	vshll.u32 v62, $0x4;
	v5 =	vadd.s32 v1, v5;
	[tilespmem:v7+s15+$0x0] =	vst.idx.add.f32.msk $0xffff, v16  }
0x46: {  	v39 =	vshll.u32 v28, $0x4;
	v14 =	vadd.s32 v1, v11;
	v9 =	vnsel vm12, $0x1, v57;
	[tilespmem:v6+s15+$0x0] =	vst.idx.add.f32.msk $0xffff, v18  }
0x47: {  	v12 =	vnsel vm14, $0x1, v61;
	v11 =	vadd.s32 v1, v39;
	v9 =	vshll.u32 v9, $0x4;
	[tilespmem:v4+s15+$0x0] =	vst.idx.add.f32.msk $0xffff, v17  }
0x48: {  	vm15 =	vgt.s32 v63, $0x1;
	v13 =	vshll.u32 v13, $0x4;
	v9 =	vadd.s32 v1, v9;
	[tilespmem:v10+s15+$0x0] =	vst.idx.add.f32.msk $0xffff, v30  }
0x49: {  	v12 =	vshll.u32 v12, $0x4;
	v19 =	vnsel vm15, $0x1, v63;
	v15 =	vadd.s32 v1, v13;
	[tilespmem:v8+s15+$0x0] =	vst.idx.add.f32.msk $0xffff, v31  }
0x4a: {  	v43 =	vmax.f32 v22, $0.0e+00;
	v13 =	vadd.s32 v1, v12;
	v40 =	vshll.u32 v19, $0x4;
	[tilespmem:v5+s15+$0x0] =	vst.idx.add.f32.msk $0xffff, v21  }
0x4b: {  	v38 =	vmax.f32 v24, $0.0e+00;
	v12 =	vadd.s32 v1, v40;
	[tilespmem:v14+s15+$0x0] =	vst.idx.add.f32.msk $0xffff, v43  }
0x4c: {  	v37 =	vmax.f32 v25, $0.0e+00;
	[tilespmem:v11+s15+$0x0] =	vst.idx.add.f32.msk $0xffff, v38  }
0x4d: {  	v35 =	vmax.f32 v26, $0.0e+00;
	[tilespmem:v9+s15+$0x0] =	vst.idx.add.f32.msk $0xffff, v37  }
0x4e: {  	v36 =	vmax.f32 v27, $0.0e+00;
	[tilespmem:v15+s15+$0x0] =	vst.idx.add.f32.msk $0xffff, v35  }
0x4f: {  	v32 =	vmax.f32 v29, $0.0e+00;
	[tilespmem:v13+s15+$0x0] =	vst.idx.add.f32.msk $0xffff, v36  }
0x50: {  	[tilespmem:v12+s15+$0x0] =	vst.idx.add.f32.msk $0xffff, v32  }
0x51: {  	v55 =	vld.idx.msk [tilespmem:v7+s15+$0x0], $0xffff  }
0x52: {  	v56 =	vld.idx.msk [tilespmem:v6+s15+$0x0], $0xffff  }
0x53: {  	v57 =	vld.idx.msk [tilespmem:v4+s15+$0x0], $0xffff  }
0x54: {  	v58 =	vld.idx.msk [tilespmem:v10+s15+$0x0], $0xffff  }
0x55: {  	v59 =	vld.idx.msk [tilespmem:v8+s15+$0x0], $0xffff  }
0x56: {  	v60 =	vld.idx.msk [tilespmem:v5+s15+$0x0], $0xffff  }
0x57: {  	v61 =	vld.idx.msk [tilespmem:v14+s15+$0x0], $0xffff  }
0x58: {  	v52 =	vld.idx.msk [tilespmem:v11+s15+$0x0], $0xffff  }
0x59: {  	v2 =	vld.idx.msk [tilespmem:v9+s15+$0x0], $0xffff  }
0x5a: {  	v41 =	vld [tilespmem:s22+$0x0]  }
0x5b: {  	v42 =	vld [tilespmem:s22+$0x2000]  }
0x5c: {  	v53 =	vld [tilespmem:s22+$0x80]  }
0x5d: {  	v23 =	vld [tilespmem:s22+$0x2080]  }
0x5e: {  	v54 =	vld [tilespmem:s22+$0x100]  }
0x5f: {  	v62 =	vld [tilespmem:s22+$0x2100]  }
0x60: {  	v63 =	vld [tilespmem:s25+$0x0]  }
0x61: {  	v28 =	vld [tilespmem:s25+$0x2000]  }
0x62: {  	v29 =	vld [tilespmem:s22+$0x200]  }
0x63: {  	v33 =	vld [tilespmem:s22+$0x2200]  }
0x64: {  	v34 =	vld [tilespmem:s22+$0x280]  }
0x65: {  	v47 =	vld [tilespmem:s22+$0x2280]  }
0x66: {  	v50 =	vld [tilespmem:s22+$0x300]  }
0x67: {  	[tilespmem:$0x1FFC0] =	vst v2;
	v2 =	vld.idx.msk [tilespmem:v15+s15+$0x0], $0xffff  }
0x68: {  	v51 =	vld [tilespmem:s22+$0x2300]  }
0x69: {  	v26 =	vld [tilespmem:s22+$0x1080]  }
0x6a: {  	vm5 =	vgt.s32 v53, $0x1;
	v40 =	vmax.f32 v42, $0.0e+00;
	v42 =	vmax.f32 v62, $0.0e+00;
	v62 =	vld [tilespmem:s22+$0x3000]  }
0x6b: {  	vm4 =	vgt.s32 v41, $0x1;
	v22 =	vnsel vm5, $0x1, v53;
	v53 =	vld [tilespmem:s23+$0x0]  }
0x6c: {  	vm6 =	vgt.s32 v54, $0x1;
	vm7 =	vgt.s32 v63, $0x1;
	vm8 =	vgt.s32 v29, $0x1;
	[tilespmem:$0x1FFD0] =	vst v2;
	v2 =	vld.idx.msk [tilespmem:v13+s15+$0x0], $0xffff  }
0x6d: {  	vm9 =	vgt.s32 v34, $0x1;
	v48 =	vmax.f32 v28, $0.0e+00;
	v25 =	vnsel vm6, $0x1, v54;
	v54 =	vld [tilespmem:s23+$0x2000]  }
0x6e: {  	vm10 =	vgt.s32 v50, $0x1;
	v19 =	vnsel vm4, $0x1, v41;
	v41 =	vmax.f32 v23, $0.0e+00;
	v23 =	vld [tilespmem:s22+$0x1000]  }
0x6f: {  	v47 =	vmax.f32 v47, $0.0e+00;
	vm13 =	vgt.s32 v26, $0x1;
	v39 =	vnsel vm7, $0x1, v63;
	v63 =	vld [tilespmem:s22+$0x3080]  }
0x70: {  	v21 =	vmul.f32 v60, v21;
	v38 =	vmul.f32 v52, v38;
	v44 =	vnsel vm8, $0x1, v29;
	v60 =	vld [tilespmem:$0x1FFC0]  }
0x71: {  	v19 =	vshll.u32 v19, $0x4;
	v22 =	vshll.u32 v22, $0x4;
	v25 =	vshll.u32 v25, $0x4;
	[tilespmem:$0x1FFE0] =	vst v2;
	v2 =	vld.idx.msk [tilespmem:v12+s15+$0x0], $0xffff  }
0x72: {  	v20 =	vshll.u32 v39, $0x4;
	v39 =	vnsel vm10, $0x1, v50;
	v50 =	vld [tilespmem:s24+$0x0];
	v24 =	vadd.s32 v1, v19  }
0x73: {  	v46 =	vnsel vm9, $0x1, v34;
	v22 =	vadd.s32 v1, v22;
	v19 =	vadd.s32 v1, v25;
	v25 =	vld [tilespmem:s22+$0x1100]  }
0x74: {  	v26 =	vnsel vm13, $0x1, v26;
	v45 =	vshll.u32 v44, $0x4;
	v28 =	vshll.u32 v39, $0x4;
	v39 =	vld [tilespmem:s24+$0x2000]  }
0x75: {  	v34 =	vshll.u32 v46, $0x4;
	v46 =	vmax.f32 v33, $0.0e+00;
	v29 =	vadd.s32 v1, v20;
	v52 =	vld [tilespmem:$0x1FFD0]  }
0x76: {  	v26 =	vshll.u32 v26, $0x4;
	v27 =	vadd.s32 v1, v45;
	vm11 =	vgt.s32 v53, $0x1;
	[tilespmem:$0x1FFF0] =	vst v2;
	v2 =	vld [tilespmem:s22+$0x3100]  }
0x77: {  	v20 =	vadd.s32 v1, v34;
	vm12 =	vgt.s32 v23, $0x1;
	v44 =	vnsel vm11, $0x1, v53;
	[tilespmem:v24+s16+$0x0] =	vst.idx.add.f32.msk $0xffff, v40  }
0x78: {  	v33 =	vadd.s32 v1, v28;
	v23 =	vnsel vm12, $0x1, v23;
	v45 =	vshll.u32 v44, $0x4;
	[tilespmem:v22+s16+$0x0] =	vst.idx.add.f32.msk $0xffff, v41  }
0x79: {  	v23 =	vshll.u32 v23, $0x4;
	vm14 =	vgt.s32 v25, $0x1;
	v28 =	vadd.s32 v1, v45;
	[tilespmem:v19+s16+$0x0] =	vst.idx.add.f32.msk $0xffff, v42  }
0x7a: {  	vm15 =	vgt.s32 v50, $0x1;
	v23 =	vadd.s32 v1, v23;
	v25 =	vnsel vm14, $0x1, v25;
	[tilespmem:v29+s16+$0x0] =	vst.idx.add.f32.msk $0xffff, v48  }
0x7b: {  	v34 =	vadd.s32 v1, v26;
	v53 =	vnsel vm15, $0x1, v50;
	v25 =	vshll.u32 v25, $0x4;
	[tilespmem:v27+s16+$0x0] =	vst.idx.add.f32.msk $0xffff, v46  }
0x7c: {  	v44 =	vmax.f32 v51, $0.0e+00;
	v26 =	vshll.u32 v53, $0x4;
	v25 =	vadd.s32 v1, v25;
	[tilespmem:v20+s16+$0x0] =	vst.idx.add.f32.msk $0xffff, v47  }
0x7d: {  	v45 =	vmax.f32 v54, $0.0e+00;
	v26 =	vadd.s32 v1, v26;
	[tilespmem:v33+s16+$0x0] =	vst.idx.add.f32.msk $0xffff, v44  }
0x7e: {  	v54 =	vmax.f32 v62, $0.0e+00;
	[tilespmem:v28+s16+$0x0] =	vst.idx.add.f32.msk $0xffff, v45  }
0x7f: {  	v53 =	vmax.f32 v63, $0.0e+00;
	[tilespmem:v23+s16+$0x0] =	vst.idx.add.f32.msk $0xffff, v54  }
0x80: {  	v51 =	vmax.f32 v2, $0.0e+00;
	[tilespmem:v34+s16+$0x0] =	vst.idx.add.f32.msk $0xffff, v53  }
0x81: {  	v50 =	vmax.f32 v39, $0.0e+00;
	[tilespmem:v25+s16+$0x0] =	vst.idx.add.f32.msk $0xffff, v51  }
0x82: {  	[tilespmem:v26+s16+$0x0] =	vst.idx.add.f32.msk $0xffff, v50  }
0x83: {  	v2 =	vld.idx.msk [tilespmem:v24+s16+$0x0], $0xffff  }
0x84: {  	v63 =	vld.idx.msk [tilespmem:v22+s16+$0x0], $0xffff  }
0x85: {  	v16 =	vmul.f32 v55, v16;
	v55 =	vld.idx.msk [tilespmem:v19+s16+$0x0], $0xffff  }
0x86: {  	v18 =	vmul.f32 v56, v18;
	v56 =	vld.idx.msk [tilespmem:v29+s16+$0x0], $0xffff  }
0x87: {  	v30 =	vmul.f32 v58, v30;
	v16 =	vadd.f32 $0.0e+00, v16;
	v39 =	vld.idx.msk [tilespmem:v33+s16+$0x0], $0xffff  }
0x88: {  	v17 =	vmul.f32 v57, v17;
	v62 =	vld.idx.msk [tilespmem:v27+s16+$0x0], $0xffff  }
0x89: {  	v31 =	vmul.f32 v59, v31;
	v18 =	vadd.f32 $0.0e+00, v18;
	v16 =	vadd.f32 v30, v16;
	v30 =	vld.idx.msk [tilespmem:v20+s16+$0x0], $0xffff  }
0x8a: {  	v58 =	vld.idx.msk [tilespmem:v28+s16+$0x0], $0xffff;
	v2 =	vmul.f32 v2, v40;
	v63 =	vmul.f32 v63, v41  }
0x8b: {  	v18 =	vadd.f32 v31, v18;
	v59 =	vld.idx.msk [tilespmem:v23+s16+$0x0], $0xffff;
	v55 =	vmul.f32 v55, v42;
	v56 =	vmul.f32 v56, v48  }
0x8c: {  	v57 =	vmul.f32 v39, v44;
	v39 =	vld.idx.msk [tilespmem:v26+s16+$0x0], $0xffff;
	v2 =	vadd.f32 $0.0e+00, v2;
	v31 =	vadd.f32 $0.0e+00, v63  }
0x8d: {  	v43 =	vmul.f32 v61, v43;
	v17 =	vadd.f32 $0.0e+00, v17;
	v62 =	vmul.f32 v62, v46;
	v63 =	vld.idx.msk [tilespmem:v34+s16+$0x0], $0xffff  }
0x8e: {  	v30 =	vmul.f32 v30, v47;
	v2 =	vadd.f32 v55, v2;
	v31 =	vadd.f32 v56, v31;
	v55 =	vld [tilespmem:$0x1FFE0]  }
0x8f: {  	v17 =	vadd.f32 v21, v17;
	v16 =	vadd.f32 v43, v16;
	v43 =	vld.idx.msk [tilespmem:v25+s16+$0x0], $0xffff;
	v61 =	vmul.f32 v58, v45  }
0x90: {  	v2 =	vadd.f32 v62, v2;
	v30 =	vadd.f32 v30, v31;
	v62 =	vmul.f32 v59, v54;
	v59 =	vld [tilespmem:$0x1FFF0]  }
0x91: {  	v37 =	vmul.f32 v60, v37;
	v18 =	vadd.f32 v38, v18;
	v35 =	vmul.f32 v52, v35;
	v60 =	vld.idx.msk [tilespmem:v24+s15+$0x0], $0xffff  }
0x92: {  	v63 =	vmul.f32 v63, v53;
	v2 =	vadd.f32 v57, v2;
	v30 =	vadd.f32 v61, v30  }
0x93: {  	v17 =	vadd.f32 v37, v17;
	v58 =	vmul.f32 v39, v50;
	v36 =	vmul.f32 v55, v36  }
0x94: {  	v57 =	vmul.f32 v43, v51;
	v2 =	vadd.f32 v62, v2;
	v56 =	vadd.f32 v63, v30  }
0x95: {  	v16 =	vadd.f32 v35, v16;
	v18 =	vadd.f32 v36, v18;
	v32 =	vmul.f32 v59, v32  }
0x96: {  	v35 =	vmul.f32 v60, v40;
	v60 =	vld.idx.msk [tilespmem:v34+s15+$0x0], $0xffff;
	v2 =	vadd.f32 v57, v2;
	v21 =	vadd.f32 v58, v56  }
0x97: {  	v39 =	vld.idx.msk [tilespmem:v28+s15+$0x0], $0xffff;
	v17 =	vadd.f32 v32, v17  }
0x98: {  	v61 =	vld.idx.msk [tilespmem:v22+s15+$0x0], $0xffff;
	v16 =	vadd.f32 v18, v16;
	v2 =	vadd.f32 v21, v2  }
0x99: {  	v62 =	vld.idx.msk [tilespmem:v19+s15+$0x0], $0xffff  }
0x9a: {  	v63 =	vld.idx.msk [tilespmem:v29+s15+$0x0], $0xffff;
	v16 =	vadd.f32 v17, v16;
	v52 =	vmax.f32 v2, $1.000000020e-16  }
0x9b: {  	v58 =	vld.idx.msk [tilespmem:v23+s15+$0x0], $0xffff;
	v55 =	vshrl.u32 v52, $0x1;
	v31 =	vmul.f32 $5.000000000e-01, v52  }
0x9c: {  	v32 =	vld.idx.msk [tilespmem:v33+s15+$0x0], $0xffff;
	v56 =	vmax.f32 v16, $1.000000020e-16;
	v37 =	vsub.s32 $0x5F3759DF, v55  }
0x9d: {  	v21 =	vld.idx.msk [tilespmem:v27+s15+$0x0], $0xffff;
	v57 =	vshrl.u32 v56, $0x1;
	v38 =	vmul.f32 $5.000000000e-01, v56;
	v59 =	vmul.f32 v37, v31  }
0x9e: {  	v36 =	vmul.f32 v61, v41;
	v17 =	vld.idx.msk [tilespmem:v20+s15+$0x0], $0xffff;
	v30 =	vmul.f32 v62, v42;
	v43 =	vsub.s32 $0x5F3759DF, v57  }
0x9f: {  	v35 =	vadd.f32 $0.0e+00, v35;
	v62 =	vld.idx.msk [tilespmem:v25+s15+$0x0], $0xffff;
	v61 =	vmul.f32 v43, v38;
	v52 =	vmul.f32 v37, v59  }
0xa0: {  	v36 =	vadd.f32 $0.0e+00, v36;
	v18 =	vmul.f32 v63, v48;
	v63 =	vld.idx.msk [tilespmem:v26+s15+$0x0], $0xffff  }
0xa1: {  	[tilespmem:v24+s16+$0x0] =	vst.idx.msk $0xffff, v0;
	v30 =	vadd.f32 v30, v35;
	v55 =	vmul.f32 v43, v61;
	v35 =	vsub.f32 $1.500000000e+00, v52  }
0xa2: {  	[tilespmem:v7+s15+$0x0] =	vst.idx.msk $0xffff, v0  }
0xa3: {  	v18 =	vadd.f32 v18, v36;
	[tilespmem:v22+s16+$0x0] =	vst.idx.msk $0xffff, v0;
	v36 =	vsub.f32 $1.500000000e+00, v55;
	v37 =	vmul.f32 v37, v35  }
0xa4: {  	[tilespmem:v6+s15+$0x0] =	vst.idx.msk $0xffff, v0;
	v21 =	vmul.f32 v21, v46;
	v17 =	vmul.f32 v17, v47  }
0xa5: {  	[tilespmem:v19+s16+$0x0] =	vst.idx.msk $0xffff, v0;
	v43 =	vmul.f32 v43, v36;
	v47 =	vmul.f32 v37, v31  }
0xa6: {  	v57 =	vmul.f32 v58, v54;
	v58 =	vmul.f32 v60, v53;
	[tilespmem:v4+s15+$0x0] =	vst.idx.msk $0xffff, v0  }
0xa7: {  	[tilespmem:v29+s16+$0x0] =	vst.idx.msk $0xffff, v0;
	v4 =	vmul.f32 v43, v38;
	v19 =	vmul.f32 v47, v37  }
0xa8: {  	v60 =	vmul.f32 v62, v51;
	v46 =	vadd.f32 v21, v30;
	[tilespmem:v10+s15+$0x0] =	vst.idx.msk $0xffff, v0  }
0xa9: {  	v17 =	vadd.f32 v17, v18;
	[tilespmem:v27+s16+$0x0] =	vst.idx.msk $0xffff, v0;
	v4 =	vmul.f32 v4, v43;
	v56 =	vsub.f32 $1.500000000e+00, v19  }
0xaa: {  	v52 =	vmul.f32 v32, v44;
	v55 =	vmul.f32 v39, v45;
	[tilespmem:v8+s15+$0x0] =	vst.idx.msk $0xffff, v0  }
0xab: {  	v62 =	vmul.f32 v63, v50;
	[tilespmem:v20+s16+$0x0] =	vst.idx.msk $0xffff, v0;
	v4 =	vsub.f32 $1.500000000e+00, v4;
	v10 =	vmul.f32 v56, v37  }
0xac: {  	v7 =	vadd.f32 v52, v46;
	v17 =	vadd.f32 v55, v17;
	[tilespmem:v5+s15+$0x0] =	vst.idx.msk $0xffff, v0  }
0xad: {  	[tilespmem:v33+s16+$0x0] =	vst.idx.msk $0xffff, v0;
	v4 =	vmul.f32 v4, v43;
	v59 =	vmul.f32 v10, v31  }
0xae: {  	v7 =	vadd.f32 v57, v7;
	v5 =	vadd.f32 v58, v17;
	[tilespmem:v14+s15+$0x0] =	vst.idx.msk $0xffff, v0  }
0xaf: {  	[tilespmem:v28+s16+$0x0] =	vst.idx.msk $0xffff, v0;
	v61 =	vmul.f32 v4, v38;
	v6 =	vmul.f32 v59, v10  }
0xb0: {  	v7 =	vadd.f32 v60, v7;
	[tilespmem:v11+s15+$0x0] =	vst.idx.msk $0xffff, v0  }
0xb1: {  	v5 =	vadd.f32 v62, v5;
	[tilespmem:v23+s16+$0x0] =	vst.idx.msk $0xffff, v0;
	v63 =	vmul.f32 v61, v4;
	v6 =	vsub.f32 $1.500000000e+00, v6  }
0xb2: {  	[tilespmem:v9+s15+$0x0] =	vst.idx.msk $0xffff, v0  }
0xb3: {  	v5 =	vadd.f32 v5, v7;
	[tilespmem:v34+s16+$0x0] =	vst.idx.msk $0xffff, v0;
	v8 =	vsub.f32 $1.500000000e+00, v63;
	v6 =	vmul.f32 v6, v10  }
0xb4: {  	p0 =	sne.s32 s21, $0x1F0;
	v2 =	vadd.f32 v2, v16;
	[tilespmem:v15+s15+$0x0] =	vst.idx.msk $0xffff, v0  }
.Ltmp1:
0xb5: {  	v4 =	vmul.f32 v8, v4;
	v6 =	vmul.f32 v6, v5;
	v5 =	vadd.f32 v5, v5;
	(pc) =	sbr.rel @p0 .LBB2_4-.Ltmp1, $4  }
0xb6: {  	[tilespmem:v25+s16+$0x0] =	vst.idx.msk $0xffff, v0  }
0xb7: {  	[tilespmem:v13+s15+$0x0] =	vst.idx.msk $0xffff, v0;
	v4 =	vmul.f32 v6, v4;
	v2 =	vsub.f32 v2, v5  }
0xb8: {  	[tilespmem:v26+s16+$0x0] =	vst.idx.msk $0xffff, v0  }
0xb9: {  	s20 =	sadd.s32 $0x80, s20;
	s21 =	sadd.s32 $0x10, s21;
	[tilespmem:v12+s15+$0x0] =	vst.idx.msk $0xffff, v0;
	v3 =	vadd.f32 v4, v3;
	v49 =	vadd.f32 v2, v49  }
0xba: {  	s19 =	sadd.s32 $0x1, s19  }
0xbb: {  	[tilespmem:$0x8F00] =	vst v3;
	p0 =	sne.s32 s19, s8  }
.Ltmp2:
0xbc: {  	[tilespmem:$0x8F80] =	vst v49;
	(pc) =	sbr.rel @p0 .LBB2_1-.Ltmp2, $4  }
0xbd: {  	[hbm4b:s7+s2] =	stream.linear.scatter [tilespmem:s17], [sflag:$0x2], $0x100, $0x38;
	[tilespmem:$0x9000] =	vst v63  }
0xbe: {  	_ =	swait.ge [sflag:s18], $0x100  }
0xbf: {  	[sflag:s18] =	ssyncset.done $0x0  }
0xc0: {  	[sflag:s18] =	ssyncadd.s32 $0xFFFFFF00  }
0xc1: {  	_ =	sfence.sel $0x180000  }
0xc2: {  	[bflag:$0x0] =	sbarrier.arrive $0xFFFF  }
0xc3: {  	p0 =	sne.s32 s1, $0x0;
	_ =	strace $0x90000047  }
0xc4: {  	s0 =	sadd.s32 @!p0 $0x100000, s0;
	[bflag:$0x2] =	sbarrier.arrive $0xFFFF  }
0xc5: {  	[sflag:s0] =	ssyncadd.tile.s32 @!p0 $0x1;
	_ =	shalt  }
.Lfunc_end2:
_tile_overlayer_lowered:
.L_overlay_start_2:
0xc6: {  	(tag) =	ssettag $0x2  }
0xc7: {  	s0 =	rddreg [dreg:$0x0];
	s2 =	stileid.u32  }
0xc8: {  	s1 =	rddreg [dreg:$0x1];
	p0 =	sne.s32 s2, $0x0  }
0xc9: {  	s3 =	rddreg [dreg:$0x2];
	[bflag:$0x3] =	sbarrier.arrive $0xFFFF;
	s2 =	simm.s32 @!p0 $0x1C02  }
0xca: {  	[timem:s3], [sflag:s2] =	dma.local @!p0 [hbm:s0], s1  }
0xcb: {  	s0 =	simm.s32 @!p0 $0x2  }
0xcc: {  	_ =	swait.ge @!p0 [sflag:s0], s1  }
0xcd: {  	s1 =	ssub.s32 @!p0 $0x0, s1;
	[sflag:s0] =	ssyncset.done @!p0 $0x0  }
0xce: {  	[sflag:s0] =	ssyncadd.s32 @!p0 s1  }
0xcf: {  	[bflag:$0x3] =	sbarrier.arrive $0xFFFF  }
0xd0: {  	_ =	shalt  }

</sc_bundles>
